<compile_context>
chip_gen: v7x
topology: tpu7x:2x2x1
jax: 0.10.2.dev20260603
libtpu: 0.0.44.dev20260713+nightly
codegen_flags: <defaults>
</compile_context>

<pallas_src>
import functools

import jax
import jax.numpy as jnp
from jax import lax
from jax.experimental import pallas as pl
from jax.experimental.pallas import tpu as pltpu
from jax.experimental.pallas import tpu_sc as plsc

ROWS, COLS = 4096, 8192
LANES = 16
NUM_CORES, NUM_SUBCORES = 2, 16
NW = NUM_CORES * NUM_SUBCORES
ROWS_PER_W = ROWS // NW
R = 4
NBLK = ROWS_PER_W // R
NSEG = 2
SEGC = COLS // NSEG
NCHUNK = SEGC // LANES
UNROLL = 2


def _scan_body(x_hbm, out_hbm,
               in0, in1, out0, out1, semi0, semi1, semo0, semo1):
    c = lax.axis_index("c")
    s = lax.axis_index("s")
    wid = s * NUM_CORES + c
    base_row = wid * ROWS_PER_W

    def in_slice(b, seg):
        row0 = base_row + b * R
        return x_hbm.at[pl.ds(row0, R), pl.ds(seg * SEGC, SEGC)]

    def out_slice(b, seg):
        row0 = base_row + b * R
        return out_hbm.at[pl.ds(row0, R), pl.ds(seg * SEGC, SEGC)]

    def compute(ibuf, obuf, carries0):
        def chunk(j, carries):
            col = j * (LANES * UNROLL)
            cur = list(carries)
            for u in range(UNROLL):
                for r in range(R):
                    cc = col + u * LANES
                    v = ibuf[r, pl.ds(cc, LANES)]
                    inc = plsc.cumsum(v)
                    obuf[r, pl.ds(cc, LANES)] = inc - v + cur[r]
                    cur[r] = cur[r] + inc[LANES - 1]
            return tuple(cur)
        return lax.fori_loop(0, NCHUNK // UNROLL, chunk, carries0)

    pltpu.async_copy(in_slice(0, 0), in0, semi0)
    pltpu.async_copy(in_slice(0, 1), in1, semi1)

    def block(b, acc):
        pltpu.make_async_copy(in_slice(b, 0), in0, semi0).wait()

        @pl.when(b > 0)
        def _():
            pltpu.make_async_copy(out0, out_slice(b, 0), semo0).wait()

        zeros = tuple(jnp.float32(0.0) for _ in range(R))
        mid = compute(in0, out0, zeros)
        pltpu.async_copy(out0, out_slice(b, 0), semo0)

        @pl.when(b < NBLK - 1)
        def _():
            pltpu.async_copy(in_slice(b + 1, 0), in0, semi0)

        pltpu.make_async_copy(in_slice(b, 1), in1, semi1).wait()

        @pl.when(b > 0)
        def _():
            pltpu.make_async_copy(out1, out_slice(b, 1), semo1).wait()

        compute(in1, out1, mid)
        pltpu.async_copy(out1, out_slice(b, 1), semo1)

        @pl.when(b < NBLK - 1)
        def _():
            pltpu.async_copy(in_slice(b + 1, 1), in1, semi1)

        return acc

    lax.fori_loop(0, NBLK, block, 0)

    pltpu.make_async_copy(out0, out_slice(NBLK - 1, 0), semo0).wait()
    pltpu.make_async_copy(out1, out_slice(NBLK - 1, 1), semo1).wait()


@jax.jit
def kernel(x):
    mesh = plsc.VectorSubcoreMesh(
        core_axis_name="c", subcore_axis_name="s",
        num_cores=NUM_CORES, num_subcores=NUM_SUBCORES)
    f = pl.kernel(
        _scan_body,
        out_type=jax.ShapeDtypeStruct((ROWS, COLS), jnp.float32),
        mesh=mesh,
        scratch_types=[
            pltpu.VMEM((R, SEGC), jnp.float32),
            pltpu.VMEM((R, SEGC), jnp.float32),
            pltpu.VMEM((R, SEGC), jnp.float32),
            pltpu.VMEM((R, SEGC), jnp.float32),
            pltpu.SemaphoreType.DMA,
            pltpu.SemaphoreType.DMA,
            pltpu.SemaphoreType.DMA,
            pltpu.SemaphoreType.DMA,
        ],
        compiler_params=pltpu.CompilerParams(needs_layout_passes=False),
    )
    return f(x)

# --- scband reference (transcript-rebuilt; emitter-appended) ---
"""Pipeline reference for scband-model-new-73315091744203 (READ-ONLY COPY).

The authoritative reference and input builder live on the scoring server;
editing this copy changes nothing except your own understanding.
"""

import jax, jax.numpy as jnp
import numpy as np

def setup_inputs(seed: int = 0) -> dict:
    key = jax.random.key(seed)
    x = jax.random.normal(key, (4096, 8192), dtype=jnp.float32)
    return {"x": x}

def reference(x):
    # Exclusive cumulative sum along dim=1: inclusive cumsum minus the element itself.
    # Matches the CUDA kernel: output[row, col] = sum_{i<=col} input[row, i] - input[row, col]
    return jnp.cumsum(x, axis=1) - x

if __name__ == "__main__":
    import jax
    _d = setup_inputs()
    print(jax.jit(kernel)(*tuple(_d.values())))

</pallas_src>

<mosaic_0001>
#map = affine_map<(d0, d1) -> (0, 0)>
module attributes {stable_mosaic.version = 14 : i64} {
  func.func @_scan_body(%arg0: i32, %arg1: i32, %arg2: memref<4096x8192xf32, #tpu.memory_space<hbm>>, %arg3: memref<4096x8192xf32, #tpu.memory_space<hbm>>, %arg4: memref<4x4096xf32, #tpu.memory_space<vmem>>, %arg5: memref<4x4096xf32, #tpu.memory_space<vmem>>, %arg6: memref<4x4096xf32, #tpu.memory_space<vmem>>, %arg7: memref<4x4096xf32, #tpu.memory_space<vmem>>, %arg8: memref<!tpu.dma_semaphore, #tpu.memory_space<semaphore_mem>>, %arg9: memref<!tpu.dma_semaphore, #tpu.memory_space<semaphore_mem>>, %arg10: memref<!tpu.dma_semaphore, #tpu.memory_space<semaphore_mem>>, %arg11: memref<!tpu.dma_semaphore, #tpu.memory_space<semaphore_mem>>) attributes {dimension_semantics = [#tpu.dimension_semantics<core_parallel>, #tpu.dimension_semantics<subcore_parallel>], iteration_bounds = array<i64: 2, 16>, scalar_prefetch = 0 : i64, scratch_operands = 8 : i64, tpu.core_type = #tpu.core_type<sc_vector_subcore>, window_params = [{transform_indices = #map}, {transform_indices = #map}]} {
    %mul3A = arith.constant 2 : i32
    %mul3A_0 = arith.muli %arg1, %mul3A : i32
    %add3A = arith.addi %mul3A_0, %arg0 : i32
    %mul3A_1 = arith.constant 128 : i32
    %mul3A_2 = arith.muli %add3A, %mul3A_1 : i32
    %add3A_3 = arith.constant 0 : i32
    %add3A_4 = arith.addi %mul3A_2, %add3A_3 : i32
    %dma_start3A = arith.constant 0 : i32
    %dma_start3A_5 = tpu.memref_slice %arg2[%add3A_4, %dma_start3A] : memref<4096x8192xf32, #tpu.memory_space<hbm>> -> memref<4x4096xf32, #tpu.memory_space<hbm>>
    %dma_start3A_6 = arith.constant 0 : i32
    %dma_start3A_7 = tpu.memref_slice %arg2[%add3A_4, %dma_start3A_6] : memref<4096x8192xf32, #tpu.memory_space<hbm>> -> memref<4x4096xf32, #tpu.memory_space<hbm>>
    tpu.enqueue_dma source(%dma_start3A_7 : memref<4x4096xf32, #tpu.memory_space<hbm>>) target(%arg4 : memref<4x4096xf32, #tpu.memory_space<vmem>>) target_semaphore(%arg8 : memref<!tpu.dma_semaphore, #tpu.memory_space<semaphore_mem>>)
    %add3A_8 = arith.constant 0 : i32
    %add3A_9 = arith.addi %mul3A_2, %add3A_8 : i32
    %dma_start3A_10 = arith.constant 4096 : i32
    %dma_start3A_11 = tpu.memref_slice %arg2[%add3A_9, %dma_start3A_10] : memref<4096x8192xf32, #tpu.memory_space<hbm>> -> memref<4x4096xf32, #tpu.memory_space<hbm>>
    %dma_start3A_12 = arith.constant 4096 : i32
    %dma_start3A_13 = tpu.memref_slice %arg2[%add3A_9, %dma_start3A_12] : memref<4096x8192xf32, #tpu.memory_space<hbm>> -> memref<4x4096xf32, #tpu.memory_space<hbm>>
    tpu.enqueue_dma source(%dma_start3A_13 : memref<4x4096xf32, #tpu.memory_space<hbm>>) target(%arg5 : memref<4x4096xf32, #tpu.memory_space<vmem>>) target_semaphore(%arg9 : memref<!tpu.dma_semaphore, #tpu.memory_space<semaphore_mem>>)
    %scan3A = arith.constant 0 : i32
    %scan3A_14 = arith.constant 0 : i32
    %scan3A_15 = arith.constant 32 : i32
    %scan3A_16 = arith.addi %scan3A_14, %scan3A_15 : i32
    %scan3A_17 = arith.constant 1 : i32
    scf.for %scan3A_30 = %scan3A_14 to %scan3A_16 step %scan3A_17  : i32 {
      %mul3A_31 = arith.constant 4 : i32
      %mul3A_32 = arith.muli %scan3A_30, %mul3A_31 : i32
      %add3A_33 = arith.addi %mul3A_2, %mul3A_32 : i32
      %dma_wait3A_34 = arith.constant 0 : i32
      %dma_wait3A_35 = tpu.memref_slice %arg2[%add3A_33, %dma_wait3A_34] : memref<4096x8192xf32, #tpu.memory_space<hbm>> -> memref<4x4096xf32, #tpu.memory_space<hbm>>
      %dma_wait3A_36 = arith.constant 0 : i32
      %dma_wait3A_37 = tpu.memref_slice %arg2[%add3A_33, %dma_wait3A_36] : memref<4096x8192xf32, #tpu.memory_space<hbm>> -> memref<4x4096xf32, #tpu.memory_space<hbm>>
      tpu.wait_dma2 semaphore(%arg8 : memref<!tpu.dma_semaphore, #tpu.memory_space<semaphore_mem>>) src(%dma_wait3A_37 : memref<4x4096xf32, #tpu.memory_space<hbm>>) dst(%arg4 : memref<4x4096xf32, #tpu.memory_space<vmem>>)
      %gt3A = arith.constant 0 : i32
      %gt3A_38 = arith.cmpi sgt, %scan3A_30, %gt3A : i32
      %convert_element_type3A = arith.extui %gt3A_38 : i1 to i32
      %cond3A = arith.constant 0 : i32
      %cond3A_39 = arith.cmpi ne, %convert_element_type3A, %cond3A : i32
      scf.if %cond3A_39 {
        %mul3A_91 = arith.constant 4 : i32
        %mul3A_92 = arith.muli %scan3A_30, %mul3A_91 : i32
        %add3A_93 = arith.addi %mul3A_2, %mul3A_92 : i32
        %dma_wait3A_94 = arith.constant 0 : i32
        %dma_wait3A_95 = tpu.memref_slice %arg3[%add3A_93, %dma_wait3A_94] : memref<4096x8192xf32, #tpu.memory_space<hbm>> -> memref<4x4096xf32, #tpu.memory_space<hbm>>
        %dma_wait3A_96 = arith.constant 0 : i32
        %dma_wait3A_97 = tpu.memref_slice %arg3[%add3A_93, %dma_wait3A_96] : memref<4096x8192xf32, #tpu.memory_space<hbm>> -> memref<4x4096xf32, #tpu.memory_space<hbm>>
        tpu.wait_dma2 semaphore(%arg10 : memref<!tpu.dma_semaphore, #tpu.memory_space<semaphore_mem>>) src(%arg6 : memref<4x4096xf32, #tpu.memory_space<vmem>>) dst(%dma_wait3A_97 : memref<4x4096xf32, #tpu.memory_space<hbm>>)
      } else {
      }
      %scan3A_40 = arith.constant 0.000000e+00 : f32
      %scan3A_41 = arith.constant 0.000000e+00 : f32
      %scan3A_42 = arith.constant 0.000000e+00 : f32
      %scan3A_43 = arith.constant 0.000000e+00 : f32
      %scan3A_44 = arith.constant 0 : i32
      %scan3A_45 = arith.constant 128 : i32
      %scan3A_46 = arith.addi %scan3A_44, %scan3A_45 : i32
      %scan3A_47 = arith.constant 1 : i32
      %scan3A_48:4 = scf.for %scan3A_91 = %scan3A_44 to %scan3A_46 step %scan3A_47 iter_args(%scan3A_92 = %scan3A_40, %scan3A_93 = %scan3A_41, %scan3A_94 = %scan3A_42, %scan3A_95 = %scan3A_43) -> (f32, f32, f32, f32)  : i32 {
        %mul3A_96 = arith.constant 32 : i32
        %mul3A_97 = arith.muli %scan3A_91, %mul3A_96 : i32
        %add3A_98 = arith.constant 0 : i32
        %add3A_99 = arith.addi %mul3A_97, %add3A_98 : i32
        %get3A = arith.constant 0 : i32
        %get3A_100 = arith.index_cast %get3A : i32 to index
        %get3A_101 = arith.index_cast %add3A_99 : i32 to index
        %get3A_102 = tpu.vector_load %arg4[%get3A_100, %get3A_101] {strides = array<i32>} : memref<4x4096xf32, #tpu.memory_space<vmem>>, vector<16xf32>,
        %broadcast_in_dim3A = arith.constant true
        %broadcast_in_dim3A_103 = vector.broadcast %broadcast_in_dim3A : i1 to vector<16xi1>
        %masked_cumsum3A = tpu.scan <sum>, %get3A_102 masked %broadcast_in_dim3A_103 : vector<16xf32>, vector<16xi1> -> vector<16xf32>
        %sub3A = arith.subf %masked_cumsum3A, %get3A_102 : vector<16xf32>
        %add3A_104 = vector.broadcast %scan3A_92 : f32 to vector<16xf32>
        %add3A_105 = arith.addf %sub3A, %add3A_104 : vector<16xf32>
        %swap3A = arith.constant 0 : i32
        %swap3A_106 = arith.index_cast %swap3A : i32 to index
        %swap3A_107 = arith.index_cast %add3A_99 : i32 to index
        %swap3A_108 = tpu.vector_load %arg6[%swap3A_106, %swap3A_107] {strides = array<i32>} : memref<4x4096xf32, #tpu.memory_space<vmem>>, vector<16xf32>,
        tpu.vector_store %arg6[%swap3A_106, %swap3A_107], %add3A_105 {strides = array<i32>} : memref<4x4096xf32, #tpu.memory_space<vmem>>, vector<16xf32>,
        %slice3A = vector.extract_strided_slice %masked_cumsum3A {offsets = [15], sizes = [1], strides = [1]} : vector<16xf32> to vector<1xf32>
        %squeeze3A = vector.extract %slice3A[0] : f32 from vector<1xf32>
        %add3A_109 = arith.addf %scan3A_92, %squeeze3A : f32
        %add3A_110 = arith.constant 0 : i32
        %add3A_111 = arith.addi %mul3A_97, %add3A_110 : i32
        %get3A_112 = arith.constant 1 : i32
        %get3A_113 = arith.index_cast %get3A_112 : i32 to index
        %get3A_114 = arith.index_cast %add3A_111 : i32 to index
        %get3A_115 = tpu.vector_load %arg4[%get3A_113, %get3A_114] {strides = array<i32>} : memref<4x4096xf32, #tpu.memory_space<vmem>>, vector<16xf32>,
        %broadcast_in_dim3A_116 = arith.constant true
        %broadcast_in_dim3A_117 = vector.broadcast %broadcast_in_dim3A_116 : i1 to vector<16xi1>
        %masked_cumsum3A_118 = tpu.scan <sum>, %get3A_115 masked %broadcast_in_dim3A_117 : vector<16xf32>, vector<16xi1> -> vector<16xf32>
        %sub3A_119 = arith.subf %masked_cumsum3A_118, %get3A_115 : vector<16xf32>
        %add3A_120 = vector.broadcast %scan3A_93 : f32 to vector<16xf32>
        %add3A_121 = arith.addf %sub3A_119, %add3A_120 : vector<16xf32>
        %swap3A_122 = arith.constant 1 : i32
        %swap3A_123 = arith.index_cast %swap3A_122 : i32 to index
        %swap3A_124 = arith.index_cast %add3A_111 : i32 to index
        %swap3A_125 = tpu.vector_load %arg6[%swap3A_123, %swap3A_124] {strides = array<i32>} : memref<4x4096xf32, #tpu.memory_space<vmem>>, vector<16xf32>,
        tpu.vector_store %arg6[%swap3A_123, %swap3A_124], %add3A_121 {strides = array<i32>} : memref<4x4096xf32, #tpu.memory_space<vmem>>, vector<16xf32>,
        %slice3A_126 = vector.extract_strided_slice %masked_cumsum3A_118 {offsets = [15], sizes = [1], strides = [1]} : vector<16xf32> to vector<1xf32>
        %squeeze3A_127 = vector.extract %slice3A_126[0] : f32 from vector<1xf32>
        %add3A_128 = arith.addf %scan3A_93, %squeeze3A_127 : f32
        %add3A_129 = arith.constant 0 : i32
        %add3A_130 = arith.addi %mul3A_97, %add3A_129 : i32
        %get3A_131 = arith.constant 2 : i32
        %get3A_132 = arith.index_cast %get3A_131 : i32 to index
        %get3A_133 = arith.index_cast %add3A_130 : i32 to index
        %get3A_134 = tpu.vector_load %arg4[%get3A_132, %get3A_133] {strides = array<i32>} : memref<4x4096xf32, #tpu.memory_space<vmem>>, vector<16xf32>,
        %broadcast_in_dim3A_135 = arith.constant true
        %broadcast_in_dim3A_136 = vector.broadcast %broadcast_in_dim3A_135 : i1 to vector<16xi1>
        %masked_cumsum3A_137 = tpu.scan <sum>, %get3A_134 masked %broadcast_in_dim3A_136 : vector<16xf32>, vector<16xi1> -> vector<16xf32>
        %sub3A_138 = arith.subf %masked_cumsum3A_137, %get3A_134 : vector<16xf32>
        %add3A_139 = vector.broadcast %scan3A_94 : f32 to vector<16xf32>
        %add3A_140 = arith.addf %sub3A_138, %add3A_139 : vector<16xf32>
        %swap3A_141 = arith.constant 2 : i32
        %swap3A_142 = arith.index_cast %swap3A_141 : i32 to index
        %swap3A_143 = arith.index_cast %add3A_130 : i32 to index
        %swap3A_144 = tpu.vector_load %arg6[%swap3A_142, %swap3A_143] {strides = array<i32>} : memref<4x4096xf32, #tpu.memory_space<vmem>>, vector<16xf32>,
        tpu.vector_store %arg6[%swap3A_142, %swap3A_143], %add3A_140 {strides = array<i32>} : memref<4x4096xf32, #tpu.memory_space<vmem>>, vector<16xf32>,
        %slice3A_145 = vector.extract_strided_slice %masked_cumsum3A_137 {offsets = [15], sizes = [1], strides = [1]} : vector<16xf32> to vector<1xf32>
        %squeeze3A_146 = vector.extract %slice3A_145[0] : f32 from vector<1xf32>
        %add3A_147 = arith.addf %scan3A_94, %squeeze3A_146 : f32
        %add3A_148 = arith.constant 0 : i32
        %add3A_149 = arith.addi %mul3A_97, %add3A_148 : i32
        %get3A_150 = arith.constant 3 : i32
        %get3A_151 = arith.index_cast %get3A_150 : i32 to index
        %get3A_152 = arith.index_cast %add3A_149 : i32 to index
        %get3A_153 = tpu.vector_load %arg4[%get3A_151, %get3A_152] {strides = array<i32>} : memref<4x4096xf32, #tpu.memory_space<vmem>>, vector<16xf32>,
        %broadcast_in_dim3A_154 = arith.constant true
        %broadcast_in_dim3A_155 = vector.broadcast %broadcast_in_dim3A_154 : i1 to vector<16xi1>
        %masked_cumsum3A_156 = tpu.scan <sum>, %get3A_153 masked %broadcast_in_dim3A_155 : vector<16xf32>, vector<16xi1> -> vector<16xf32>
        %sub3A_157 = arith.subf %masked_cumsum3A_156, %get3A_153 : vector<16xf32>
        %add3A_158 = vector.broadcast %scan3A_95 : f32 to vector<16xf32>
        %add3A_159 = arith.addf %sub3A_157, %add3A_158 : vector<16xf32>
        %swap3A_160 = arith.constant 3 : i32
        %swap3A_161 = arith.index_cast %swap3A_160 : i32 to index
        %swap3A_162 = arith.index_cast %add3A_149 : i32 to index
        %swap3A_163 = tpu.vector_load %arg6[%swap3A_161, %swap3A_162] {strides = array<i32>} : memref<4x4096xf32, #tpu.memory_space<vmem>>, vector<16xf32>,
        tpu.vector_store %arg6[%swap3A_161, %swap3A_162], %add3A_159 {strides = array<i32>} : memref<4x4096xf32, #tpu.memory_space<vmem>>, vector<16xf32>,
        %slice3A_164 = vector.extract_strided_slice %masked_cumsum3A_156 {offsets = [15], sizes = [1], strides = [1]} : vector<16xf32> to vector<1xf32>
        %squeeze3A_165 = vector.extract %slice3A_164[0] : f32 from vector<1xf32>
        %add3A_166 = arith.addf %scan3A_95, %squeeze3A_165 : f32
        %add3A_167 = arith.constant 16 : i32
        %add3A_168 = arith.addi %mul3A_97, %add3A_167 : i32
        %get3A_169 = arith.constant 0 : i32
        %get3A_170 = arith.index_cast %get3A_169 : i32 to index
        %get3A_171 = arith.index_cast %add3A_168 : i32 to index
        %get3A_172 = tpu.vector_load %arg4[%get3A_170, %get3A_171] {strides = array<i32>} : memref<4x4096xf32, #tpu.memory_space<vmem>>, vector<16xf32>,
        %broadcast_in_dim3A_173 = arith.constant true
        %broadcast_in_dim3A_174 = vector.broadcast %broadcast_in_dim3A_173 : i1 to vector<16xi1>
        %masked_cumsum3A_175 = tpu.scan <sum>, %get3A_172 masked %broadcast_in_dim3A_174 : vector<16xf32>, vector<16xi1> -> vector<16xf32>
        %sub3A_176 = arith.subf %masked_cumsum3A_175, %get3A_172 : vector<16xf32>
        %add3A_177 = vector.broadcast %add3A_109 : f32 to vector<16xf32>
        %add3A_178 = arith.addf %sub3A_176, %add3A_177 : vector<16xf32>
        %swap3A_179 = arith.constant 0 : i32
        %swap3A_180 = arith.index_cast %swap3A_179 : i32 to index
        %swap3A_181 = arith.index_cast %add3A_168 : i32 to index
        %swap3A_182 = tpu.vector_load %arg6[%swap3A_180, %swap3A_181] {strides = array<i32>} : memref<4x4096xf32, #tpu.memory_space<vmem>>, vector<16xf32>,
        tpu.vector_store %arg6[%swap3A_180, %swap3A_181], %add3A_178 {strides = array<i32>} : memref<4x4096xf32, #tpu.memory_space<vmem>>, vector<16xf32>,
        %slice3A_183 = vector.extract_strided_slice %masked_cumsum3A_175 {offsets = [15], sizes = [1], strides = [1]} : vector<16xf32> to vector<1xf32>
        %squeeze3A_184 = vector.extract %slice3A_183[0] : f32 from vector<1xf32>
        %add3A_185 = arith.addf %add3A_109, %squeeze3A_184 : f32
        %add3A_186 = arith.constant 16 : i32
        %add3A_187 = arith.addi %mul3A_97, %add3A_186 : i32
        %get3A_188 = arith.constant 1 : i32
        %get3A_189 = arith.index_cast %get3A_188 : i32 to index
        %get3A_190 = arith.index_cast %add3A_187 : i32 to index
        %get3A_191 = tpu.vector_load %arg4[%get3A_189, %get3A_190] {strides = array<i32>} : memref<4x4096xf32, #tpu.memory_space<vmem>>, vector<16xf32>,
        %broadcast_in_dim3A_192 = arith.constant true
        %broadcast_in_dim3A_193 = vector.broadcast %broadcast_in_dim3A_192 : i1 to vector<16xi1>
        %masked_cumsum3A_194 = tpu.scan <sum>, %get3A_191 masked %broadcast_in_dim3A_193 : vector<16xf32>, vector<16xi1> -> vector<16xf32>
        %sub3A_195 = arith.subf %masked_cumsum3A_194, %get3A_191 : vector<16xf32>
        %add3A_196 = vector.broadcast %add3A_128 : f32 to vector<16xf32>
        %add3A_197 = arith.addf %sub3A_195, %add3A_196 : vector<16xf32>
        %swap3A_198 = arith.constant 1 : i32
        %swap3A_199 = arith.index_cast %swap3A_198 : i32 to index
        %swap3A_200 = arith.index_cast %add3A_187 : i32 to index
        %swap3A_201 = tpu.vector_load %arg6[%swap3A_199, %swap3A_200] {strides = array<i32>} : memref<4x4096xf32, #tpu.memory_space<vmem>>, vector<16xf32>,
        tpu.vector_store %arg6[%swap3A_199, %swap3A_200], %add3A_197 {strides = array<i32>} : memref<4x4096xf32, #tpu.memory_space<vmem>>, vector<16xf32>,
        %slice3A_202 = vector.extract_strided_slice %masked_cumsum3A_194 {offsets = [15], sizes = [1], strides = [1]} : vector<16xf32> to vector<1xf32>
        %squeeze3A_203 = vector.extract %slice3A_202[0] : f32 from vector<1xf32>
        %add3A_204 = arith.addf %add3A_128, %squeeze3A_203 : f32
        %add3A_205 = arith.constant 16 : i32
        %add3A_206 = arith.addi %mul3A_97, %add3A_205 : i32
        %get3A_207 = arith.constant 2 : i32
        %get3A_208 = arith.index_cast %get3A_207 : i32 to index
        %get3A_209 = arith.index_cast %add3A_206 : i32 to index
        %get3A_210 = tpu.vector_load %arg4[%get3A_208, %get3A_209] {strides = array<i32>} : memref<4x4096xf32, #tpu.memory_space<vmem>>, vector<16xf32>,
        %broadcast_in_dim3A_211 = arith.constant true
        %broadcast_in_dim3A_212 = vector.broadcast %broadcast_in_dim3A_211 : i1 to vector<16xi1>
        %masked_cumsum3A_213 = tpu.scan <sum>, %get3A_210 masked %broadcast_in_dim3A_212 : vector<16xf32>, vector<16xi1> -> vector<16xf32>
        %sub3A_214 = arith.subf %masked_cumsum3A_213, %get3A_210 : vector<16xf32>
        %add3A_215 = vector.broadcast %add3A_147 : f32 to vector<16xf32>
        %add3A_216 = arith.addf %sub3A_214, %add3A_215 : vector<16xf32>
        %swap3A_217 = arith.constant 2 : i32
        %swap3A_218 = arith.index_cast %swap3A_217 : i32 to index
        %swap3A_219 = arith.index_cast %add3A_206 : i32 to index
        %swap3A_220 = tpu.vector_load %arg6[%swap3A_218, %swap3A_219] {strides = array<i32>} : memref<4x4096xf32, #tpu.memory_space<vmem>>, vector<16xf32>,
        tpu.vector_store %arg6[%swap3A_218, %swap3A_219], %add3A_216 {strides = array<i32>} : memref<4x4096xf32, #tpu.memory_space<vmem>>, vector<16xf32>,
        %slice3A_221 = vector.extract_strided_slice %masked_cumsum3A_213 {offsets = [15], sizes = [1], strides = [1]} : vector<16xf32> to vector<1xf32>
        %squeeze3A_222 = vector.extract %slice3A_221[0] : f32 from vector<1xf32>
        %add3A_223 = arith.addf %add3A_147, %squeeze3A_222 : f32
        %add3A_224 = arith.constant 16 : i32
        %add3A_225 = arith.addi %mul3A_97, %add3A_224 : i32
        %get3A_226 = arith.constant 3 : i32
        %get3A_227 = arith.index_cast %get3A_226 : i32 to index
        %get3A_228 = arith.index_cast %add3A_225 : i32 to index
        %get3A_229 = tpu.vector_load %arg4[%get3A_227, %get3A_228] {strides = array<i32>} : memref<4x4096xf32, #tpu.memory_space<vmem>>, vector<16xf32>,
        %broadcast_in_dim3A_230 = arith.constant true
        %broadcast_in_dim3A_231 = vector.broadcast %broadcast_in_dim3A_230 : i1 to vector<16xi1>
        %masked_cumsum3A_232 = tpu.scan <sum>, %get3A_229 masked %broadcast_in_dim3A_231 : vector<16xf32>, vector<16xi1> -> vector<16xf32>
        %sub3A_233 = arith.subf %masked_cumsum3A_232, %get3A_229 : vector<16xf32>
        %add3A_234 = vector.broadcast %add3A_166 : f32 to vector<16xf32>
        %add3A_235 = arith.addf %sub3A_233, %add3A_234 : vector<16xf32>
        %swap3A_236 = arith.constant 3 : i32
        %swap3A_237 = arith.index_cast %swap3A_236 : i32 to index
        %swap3A_238 = arith.index_cast %add3A_225 : i32 to index
        %swap3A_239 = tpu.vector_load %arg6[%swap3A_237, %swap3A_238] {strides = array<i32>} : memref<4x4096xf32, #tpu.memory_space<vmem>>, vector<16xf32>,
        tpu.vector_store %arg6[%swap3A_237, %swap3A_238], %add3A_235 {strides = array<i32>} : memref<4x4096xf32, #tpu.memory_space<vmem>>, vector<16xf32>,
        %slice3A_240 = vector.extract_strided_slice %masked_cumsum3A_232 {offsets = [15], sizes = [1], strides = [1]} : vector<16xf32> to vector<1xf32>
        %squeeze3A_241 = vector.extract %slice3A_240[0] : f32 from vector<1xf32>
        %add3A_242 = arith.addf %add3A_166, %squeeze3A_241 : f32
        scf.yield %add3A_185, %add3A_204, %add3A_223, %add3A_242 : f32, f32, f32, f32
      }
      %scan3A_49 = arith.constant 128 : i32
      %mul3A_50 = arith.constant 4 : i32
      %mul3A_51 = arith.muli %scan3A_30, %mul3A_50 : i32
      %add3A_52 = arith.addi %mul3A_2, %mul3A_51 : i32
      %dma_start3A_53 = arith.constant 0 : i32
      %dma_start3A_54 = tpu.memref_slice %arg3[%add3A_52, %dma_start3A_53] : memref<4096x8192xf32, #tpu.memory_space<hbm>> -> memref<4x4096xf32, #tpu.memory_space<hbm>>
      %dma_start3A_55 = arith.constant 0 : i32
      %dma_start3A_56 = tpu.memref_slice %arg3[%add3A_52, %dma_start3A_55] : memref<4096x8192xf32, #tpu.memory_space<hbm>> -> memref<4x4096xf32, #tpu.memory_space<hbm>>
      tpu.enqueue_dma source(%arg6 : memref<4x4096xf32, #tpu.memory_space<vmem>>) target(%dma_start3A_56 : memref<4x4096xf32, #tpu.memory_space<hbm>>) target_semaphore(%arg10 : memref<!tpu.dma_semaphore, #tpu.memory_space<semaphore_mem>>)
      %lt3A = arith.constant 31 : i32
      %lt3A_57 = arith.cmpi slt, %scan3A_30, %lt3A : i32
      %convert_element_type3A_58 = arith.extui %lt3A_57 : i1 to i32
      %cond3A_59 = arith.constant 0 : i32
      %cond3A_60 = arith.cmpi ne, %convert_element_type3A_58, %cond3A_59 : i32
      scf.if %cond3A_60 {
        %add3A_91 = arith.constant 1 : i32
        %add3A_92 = arith.addi %scan3A_30, %add3A_91 : i32
        %mul3A_93 = arith.constant 4 : i32
        %mul3A_94 = arith.muli %add3A_92, %mul3A_93 : i32
        %add3A_95 = arith.addi %mul3A_2, %mul3A_94 : i32
        %dma_start3A_96 = arith.constant 0 : i32
        %dma_start3A_97 = tpu.memref_slice %arg2[%add3A_95, %dma_start3A_96] : memref<4096x8192xf32, #tpu.memory_space<hbm>> -> memref<4x4096xf32, #tpu.memory_space<hbm>>
        %dma_start3A_98 = arith.constant 0 : i32
        %dma_start3A_99 = tpu.memref_slice %arg2[%add3A_95, %dma_start3A_98] : memref<4096x8192xf32, #tpu.memory_space<hbm>> -> memref<4x4096xf32, #tpu.memory_space<hbm>>
        tpu.enqueue_dma source(%dma_start3A_99 : memref<4x4096xf32, #tpu.memory_space<hbm>>) target(%arg4 : memref<4x4096xf32, #tpu.memory_space<vmem>>) target_semaphore(%arg8 : memref<!tpu.dma_semaphore, #tpu.memory_space<semaphore_mem>>)
      } else {
      }
      %mul3A_61 = arith.constant 4 : i32
      %mul3A_62 = arith.muli %scan3A_30, %mul3A_61 : i32
      %add3A_63 = arith.addi %mul3A_2, %mul3A_62 : i32
      %dma_wait3A_64 = arith.constant 4096 : i32
      %dma_wait3A_65 = tpu.memref_slice %arg2[%add3A_63, %dma_wait3A_64] : memref<4096x8192xf32, #tpu.memory_space<hbm>> -> memref<4x4096xf32, #tpu.memory_space<hbm>>
      %dma_wait3A_66 = arith.constant 4096 : i32
      %dma_wait3A_67 = tpu.memref_slice %arg2[%add3A_63, %dma_wait3A_66] : memref<4096x8192xf32, #tpu.memory_space<hbm>> -> memref<4x4096xf32, #tpu.memory_space<hbm>>
      tpu.wait_dma2 semaphore(%arg9 : memref<!tpu.dma_semaphore, #tpu.memory_space<semaphore_mem>>) src(%dma_wait3A_67 : memref<4x4096xf32, #tpu.memory_space<hbm>>) dst(%arg5 : memref<4x4096xf32, #tpu.memory_space<vmem>>)
      %gt3A_68 = arith.constant 0 : i32
      %gt3A_69 = arith.cmpi sgt, %scan3A_30, %gt3A_68 : i32
      %convert_element_type3A_70 = arith.extui %gt3A_69 : i1 to i32
      %cond3A_71 = arith.constant 0 : i32
      %cond3A_72 = arith.cmpi ne, %convert_element_type3A_70, %cond3A_71 : i32
      scf.if %cond3A_72 {
        %mul3A_91 = arith.constant 4 : i32
        %mul3A_92 = arith.muli %scan3A_30, %mul3A_91 : i32
        %add3A_93 = arith.addi %mul3A_2, %mul3A_92 : i32
        %dma_wait3A_94 = arith.constant 4096 : i32
        %dma_wait3A_95 = tpu.memref_slice %arg3[%add3A_93, %dma_wait3A_94] : memref<4096x8192xf32, #tpu.memory_space<hbm>> -> memref<4x4096xf32, #tpu.memory_space<hbm>>
        %dma_wait3A_96 = arith.constant 4096 : i32
        %dma_wait3A_97 = tpu.memref_slice %arg3[%add3A_93, %dma_wait3A_96] : memref<4096x8192xf32, #tpu.memory_space<hbm>> -> memref<4x4096xf32, #tpu.memory_space<hbm>>
        tpu.wait_dma2 semaphore(%arg11 : memref<!tpu.dma_semaphore, #tpu.memory_space<semaphore_mem>>) src(%arg7 : memref<4x4096xf32, #tpu.memory_space<vmem>>) dst(%dma_wait3A_97 : memref<4x4096xf32, #tpu.memory_space<hbm>>)
      } else {
      }
      %scan3A_73 = arith.constant 0 : i32
      %scan3A_74 = arith.constant 128 : i32
      %scan3A_75 = arith.addi %scan3A_73, %scan3A_74 : i32
      %scan3A_76 = arith.constant 1 : i32
      %scan3A_77:4 = scf.for %scan3A_91 = %scan3A_73 to %scan3A_75 step %scan3A_76 iter_args(%scan3A_92 = %scan3A_48#0, %scan3A_93 = %scan3A_48#1, %scan3A_94 = %scan3A_48#2, %scan3A_95 = %scan3A_48#3) -> (f32, f32, f32, f32)  : i32 {
        %mul3A_96 = arith.constant 32 : i32
        %mul3A_97 = arith.muli %scan3A_91, %mul3A_96 : i32
        %add3A_98 = arith.constant 0 : i32
        %add3A_99 = arith.addi %mul3A_97, %add3A_98 : i32
        %get3A = arith.constant 0 : i32
        %get3A_100 = arith.index_cast %get3A : i32 to index
        %get3A_101 = arith.index_cast %add3A_99 : i32 to index
        %get3A_102 = tpu.vector_load %arg5[%get3A_100, %get3A_101] {strides = array<i32>} : memref<4x4096xf32, #tpu.memory_space<vmem>>, vector<16xf32>,
        %broadcast_in_dim3A = arith.constant true
        %broadcast_in_dim3A_103 = vector.broadcast %broadcast_in_dim3A : i1 to vector<16xi1>
        %masked_cumsum3A = tpu.scan <sum>, %get3A_102 masked %broadcast_in_dim3A_103 : vector<16xf32>, vector<16xi1> -> vector<16xf32>
        %sub3A = arith.subf %masked_cumsum3A, %get3A_102 : vector<16xf32>
        %add3A_104 = vector.broadcast %scan3A_92 : f32 to vector<16xf32>
        %add3A_105 = arith.addf %sub3A, %add3A_104 : vector<16xf32>
        %swap3A = arith.constant 0 : i32
        %swap3A_106 = arith.index_cast %swap3A : i32 to index
        %swap3A_107 = arith.index_cast %add3A_99 : i32 to index
        %swap3A_108 = tpu.vector_load %arg7[%swap3A_106, %swap3A_107] {strides = array<i32>} : memref<4x4096xf32, #tpu.memory_space<vmem>>, vector<16xf32>,
        tpu.vector_store %arg7[%swap3A_106, %swap3A_107], %add3A_105 {strides = array<i32>} : memref<4x4096xf32, #tpu.memory_space<vmem>>, vector<16xf32>,
        %slice3A = vector.extract_strided_slice %masked_cumsum3A {offsets = [15], sizes = [1], strides = [1]} : vector<16xf32> to vector<1xf32>
        %squeeze3A = vector.extract %slice3A[0] : f32 from vector<1xf32>
        %add3A_109 = arith.addf %scan3A_92, %squeeze3A : f32
        %add3A_110 = arith.constant 0 : i32
        %add3A_111 = arith.addi %mul3A_97, %add3A_110 : i32
        %get3A_112 = arith.constant 1 : i32
        %get3A_113 = arith.index_cast %get3A_112 : i32 to index
        %get3A_114 = arith.index_cast %add3A_111 : i32 to index
        %get3A_115 = tpu.vector_load %arg5[%get3A_113, %get3A_114] {strides = array<i32>} : memref<4x4096xf32, #tpu.memory_space<vmem>>, vector<16xf32>,
        %broadcast_in_dim3A_116 = arith.constant true
        %broadcast_in_dim3A_117 = vector.broadcast %broadcast_in_dim3A_116 : i1 to vector<16xi1>
        %masked_cumsum3A_118 = tpu.scan <sum>, %get3A_115 masked %broadcast_in_dim3A_117 : vector<16xf32>, vector<16xi1> -> vector<16xf32>
        %sub3A_119 = arith.subf %masked_cumsum3A_118, %get3A_115 : vector<16xf32>
        %add3A_120 = vector.broadcast %scan3A_93 : f32 to vector<16xf32>
        %add3A_121 = arith.addf %sub3A_119, %add3A_120 : vector<16xf32>
        %swap3A_122 = arith.constant 1 : i32
        %swap3A_123 = arith.index_cast %swap3A_122 : i32 to index
        %swap3A_124 = arith.index_cast %add3A_111 : i32 to index
        %swap3A_125 = tpu.vector_load %arg7[%swap3A_123, %swap3A_124] {strides = array<i32>} : memref<4x4096xf32, #tpu.memory_space<vmem>>, vector<16xf32>,
        tpu.vector_store %arg7[%swap3A_123, %swap3A_124], %add3A_121 {strides = array<i32>} : memref<4x4096xf32, #tpu.memory_space<vmem>>, vector<16xf32>,
        %slice3A_126 = vector.extract_strided_slice %masked_cumsum3A_118 {offsets = [15], sizes = [1], strides = [1]} : vector<16xf32> to vector<1xf32>
        %squeeze3A_127 = vector.extract %slice3A_126[0] : f32 from vector<1xf32>
        %add3A_128 = arith.addf %scan3A_93, %squeeze3A_127 : f32
        %add3A_129 = arith.constant 0 : i32
        %add3A_130 = arith.addi %mul3A_97, %add3A_129 : i32
        %get3A_131 = arith.constant 2 : i32
        %get3A_132 = arith.index_cast %get3A_131 : i32 to index
        %get3A_133 = arith.index_cast %add3A_130 : i32 to index
        %get3A_134 = tpu.vector_load %arg5[%get3A_132, %get3A_133] {strides = array<i32>} : memref<4x4096xf32, #tpu.memory_space<vmem>>, vector<16xf32>,
        %broadcast_in_dim3A_135 = arith.constant true
        %broadcast_in_dim3A_136 = vector.broadcast %broadcast_in_dim3A_135 : i1 to vector<16xi1>
        %masked_cumsum3A_137 = tpu.scan <sum>, %get3A_134 masked %broadcast_in_dim3A_136 : vector<16xf32>, vector<16xi1> -> vector<16xf32>
        %sub3A_138 = arith.subf %masked_cumsum3A_137, %get3A_134 : vector<16xf32>
        %add3A_139 = vector.broadcast %scan3A_94 : f32 to vector<16xf32>
        %add3A_140 = arith.addf %sub3A_138, %add3A_139 : vector<16xf32>
        %swap3A_141 = arith.constant 2 : i32
        %swap3A_142 = arith.index_cast %swap3A_141 : i32 to index
        %swap3A_143 = arith.index_cast %add3A_130 : i32 to index
        %swap3A_144 = tpu.vector_load %arg7[%swap3A_142, %swap3A_143] {strides = array<i32>} : memref<4x4096xf32, #tpu.memory_space<vmem>>, vector<16xf32>,
        tpu.vector_store %arg7[%swap3A_142, %swap3A_143], %add3A_140 {strides = array<i32>} : memref<4x4096xf32, #tpu.memory_space<vmem>>, vector<16xf32>,
        %slice3A_145 = vector.extract_strided_slice %masked_cumsum3A_137 {offsets = [15], sizes = [1], strides = [1]} : vector<16xf32> to vector<1xf32>
        %squeeze3A_146 = vector.extract %slice3A_145[0] : f32 from vector<1xf32>
        %add3A_147 = arith.addf %scan3A_94, %squeeze3A_146 : f32
        %add3A_148 = arith.constant 0 : i32
        %add3A_149 = arith.addi %mul3A_97, %add3A_148 : i32
        %get3A_150 = arith.constant 3 : i32
        %get3A_151 = arith.index_cast %get3A_150 : i32 to index
        %get3A_152 = arith.index_cast %add3A_149 : i32 to index
        %get3A_153 = tpu.vector_load %arg5[%get3A_151, %get3A_152] {strides = array<i32>} : memref<4x4096xf32, #tpu.memory_space<vmem>>, vector<16xf32>,
        %broadcast_in_dim3A_154 = arith.constant true
        %broadcast_in_dim3A_155 = vector.broadcast %broadcast_in_dim3A_154 : i1 to vector<16xi1>
        %masked_cumsum3A_156 = tpu.scan <sum>, %get3A_153 masked %broadcast_in_dim3A_155 : vector<16xf32>, vector<16xi1> -> vector<16xf32>
        %sub3A_157 = arith.subf %masked_cumsum3A_156, %get3A_153 : vector<16xf32>
        %add3A_158 = vector.broadcast %scan3A_95 : f32 to vector<16xf32>
        %add3A_159 = arith.addf %sub3A_157, %add3A_158 : vector<16xf32>
        %swap3A_160 = arith.constant 3 : i32
        %swap3A_161 = arith.index_cast %swap3A_160 : i32 to index
        %swap3A_162 = arith.index_cast %add3A_149 : i32 to index
        %swap3A_163 = tpu.vector_load %arg7[%swap3A_161, %swap3A_162] {strides = array<i32>} : memref<4x4096xf32, #tpu.memory_space<vmem>>, vector<16xf32>,
        tpu.vector_store %arg7[%swap3A_161, %swap3A_162], %add3A_159 {strides = array<i32>} : memref<4x4096xf32, #tpu.memory_space<vmem>>, vector<16xf32>,
        %slice3A_164 = vector.extract_strided_slice %masked_cumsum3A_156 {offsets = [15], sizes = [1], strides = [1]} : vector<16xf32> to vector<1xf32>
        %squeeze3A_165 = vector.extract %slice3A_164[0] : f32 from vector<1xf32>
        %add3A_166 = arith.addf %scan3A_95, %squeeze3A_165 : f32
        %add3A_167 = arith.constant 16 : i32
        %add3A_168 = arith.addi %mul3A_97, %add3A_167 : i32
        %get3A_169 = arith.constant 0 : i32
        %get3A_170 = arith.index_cast %get3A_169 : i32 to index
        %get3A_171 = arith.index_cast %add3A_168 : i32 to index
        %get3A_172 = tpu.vector_load %arg5[%get3A_170, %get3A_171] {strides = array<i32>} : memref<4x4096xf32, #tpu.memory_space<vmem>>, vector<16xf32>,
        %broadcast_in_dim3A_173 = arith.constant true
        %broadcast_in_dim3A_174 = vector.broadcast %broadcast_in_dim3A_173 : i1 to vector<16xi1>
        %masked_cumsum3A_175 = tpu.scan <sum>, %get3A_172 masked %broadcast_in_dim3A_174 : vector<16xf32>, vector<16xi1> -> vector<16xf32>
        %sub3A_176 = arith.subf %masked_cumsum3A_175, %get3A_172 : vector<16xf32>
        %add3A_177 = vector.broadcast %add3A_109 : f32 to vector<16xf32>
        %add3A_178 = arith.addf %sub3A_176, %add3A_177 : vector<16xf32>
        %swap3A_179 = arith.constant 0 : i32
        %swap3A_180 = arith.index_cast %swap3A_179 : i32 to index
        %swap3A_181 = arith.index_cast %add3A_168 : i32 to index
        %swap3A_182 = tpu.vector_load %arg7[%swap3A_180, %swap3A_181] {strides = array<i32>} : memref<4x4096xf32, #tpu.memory_space<vmem>>, vector<16xf32>,
        tpu.vector_store %arg7[%swap3A_180, %swap3A_181], %add3A_178 {strides = array<i32>} : memref<4x4096xf32, #tpu.memory_space<vmem>>, vector<16xf32>,
        %slice3A_183 = vector.extract_strided_slice %masked_cumsum3A_175 {offsets = [15], sizes = [1], strides = [1]} : vector<16xf32> to vector<1xf32>
        %squeeze3A_184 = vector.extract %slice3A_183[0] : f32 from vector<1xf32>
        %add3A_185 = arith.addf %add3A_109, %squeeze3A_184 : f32
        %add3A_186 = arith.constant 16 : i32
        %add3A_187 = arith.addi %mul3A_97, %add3A_186 : i32
        %get3A_188 = arith.constant 1 : i32
        %get3A_189 = arith.index_cast %get3A_188 : i32 to index
        %get3A_190 = arith.index_cast %add3A_187 : i32 to index
        %get3A_191 = tpu.vector_load %arg5[%get3A_189, %get3A_190] {strides = array<i32>} : memref<4x4096xf32, #tpu.memory_space<vmem>>, vector<16xf32>,
        %broadcast_in_dim3A_192 = arith.constant true
        %broadcast_in_dim3A_193 = vector.broadcast %broadcast_in_dim3A_192 : i1 to vector<16xi1>
        %masked_cumsum3A_194 = tpu.scan <sum>, %get3A_191 masked %broadcast_in_dim3A_193 : vector<16xf32>, vector<16xi1> -> vector<16xf32>
        %sub3A_195 = arith.subf %masked_cumsum3A_194, %get3A_191 : vector<16xf32>
        %add3A_196 = vector.broadcast %add3A_128 : f32 to vector<16xf32>
        %add3A_197 = arith.addf %sub3A_195, %add3A_196 : vector<16xf32>
        %swap3A_198 = arith.constant 1 : i32
        %swap3A_199 = arith.index_cast %swap3A_198 : i32 to index
        %swap3A_200 = arith.index_cast %add3A_187 : i32 to index
        %swap3A_201 = tpu.vector_load %arg7[%swap3A_199, %swap3A_200] {strides = array<i32>} : memref<4x4096xf32, #tpu.memory_space<vmem>>, vector<16xf32>,
        tpu.vector_store %arg7[%swap3A_199, %swap3A_200], %add3A_197 {strides = array<i32>} : memref<4x4096xf32, #tpu.memory_space<vmem>>, vector<16xf32>,
        %slice3A_202 = vector.extract_strided_slice %masked_cumsum3A_194 {offsets = [15], sizes = [1], strides = [1]} : vector<16xf32> to vector<1xf32>
        %squeeze3A_203 = vector.extract %slice3A_202[0] : f32 from vector<1xf32>
        %add3A_204 = arith.addf %add3A_128, %squeeze3A_203 : f32
        %add3A_205 = arith.constant 16 : i32
        %add3A_206 = arith.addi %mul3A_97, %add3A_205 : i32
        %get3A_207 = arith.constant 2 : i32
        %get3A_208 = arith.index_cast %get3A_207 : i32 to index
        %get3A_209 = arith.index_cast %add3A_206 : i32 to index
        %get3A_210 = tpu.vector_load %arg5[%get3A_208, %get3A_209] {strides = array<i32>} : memref<4x4096xf32, #tpu.memory_space<vmem>>, vector<16xf32>,
        %broadcast_in_dim3A_211 = arith.constant true
        %broadcast_in_dim3A_212 = vector.broadcast %broadcast_in_dim3A_211 : i1 to vector<16xi1>
        %masked_cumsum3A_213 = tpu.scan <sum>, %get3A_210 masked %broadcast_in_dim3A_212 : vector<16xf32>, vector<16xi1> -> vector<16xf32>
        %sub3A_214 = arith.subf %masked_cumsum3A_213, %get3A_210 : vector<16xf32>
        %add3A_215 = vector.broadcast %add3A_147 : f32 to vector<16xf32>
        %add3A_216 = arith.addf %sub3A_214, %add3A_215 : vector<16xf32>
        %swap3A_217 = arith.constant 2 : i32
        %swap3A_218 = arith.index_cast %swap3A_217 : i32 to index
        %swap3A_219 = arith.index_cast %add3A_206 : i32 to index
        %swap3A_220 = tpu.vector_load %arg7[%swap3A_218, %swap3A_219] {strides = array<i32>} : memref<4x4096xf32, #tpu.memory_space<vmem>>, vector<16xf32>,
        tpu.vector_store %arg7[%swap3A_218, %swap3A_219], %add3A_216 {strides = array<i32>} : memref<4x4096xf32, #tpu.memory_space<vmem>>, vector<16xf32>,
        %slice3A_221 = vector.extract_strided_slice %masked_cumsum3A_213 {offsets = [15], sizes = [1], strides = [1]} : vector<16xf32> to vector<1xf32>
        %squeeze3A_222 = vector.extract %slice3A_221[0] : f32 from vector<1xf32>
        %add3A_223 = arith.addf %add3A_147, %squeeze3A_222 : f32
        %add3A_224 = arith.constant 16 : i32
        %add3A_225 = arith.addi %mul3A_97, %add3A_224 : i32
        %get3A_226 = arith.constant 3 : i32
        %get3A_227 = arith.index_cast %get3A_226 : i32 to index
        %get3A_228 = arith.index_cast %add3A_225 : i32 to index
        %get3A_229 = tpu.vector_load %arg5[%get3A_227, %get3A_228] {strides = array<i32>} : memref<4x4096xf32, #tpu.memory_space<vmem>>, vector<16xf32>,
        %broadcast_in_dim3A_230 = arith.constant true
        %broadcast_in_dim3A_231 = vector.broadcast %broadcast_in_dim3A_230 : i1 to vector<16xi1>
        %masked_cumsum3A_232 = tpu.scan <sum>, %get3A_229 masked %broadcast_in_dim3A_231 : vector<16xf32>, vector<16xi1> -> vector<16xf32>
        %sub3A_233 = arith.subf %masked_cumsum3A_232, %get3A_229 : vector<16xf32>
        %add3A_234 = vector.broadcast %add3A_166 : f32 to vector<16xf32>
        %add3A_235 = arith.addf %sub3A_233, %add3A_234 : vector<16xf32>
        %swap3A_236 = arith.constant 3 : i32
        %swap3A_237 = arith.index_cast %swap3A_236 : i32 to index
        %swap3A_238 = arith.index_cast %add3A_225 : i32 to index
        %swap3A_239 = tpu.vector_load %arg7[%swap3A_237, %swap3A_238] {strides = array<i32>} : memref<4x4096xf32, #tpu.memory_space<vmem>>, vector<16xf32>,
        tpu.vector_store %arg7[%swap3A_237, %swap3A_238], %add3A_235 {strides = array<i32>} : memref<4x4096xf32, #tpu.memory_space<vmem>>, vector<16xf32>,
        %slice3A_240 = vector.extract_strided_slice %masked_cumsum3A_232 {offsets = [15], sizes = [1], strides = [1]} : vector<16xf32> to vector<1xf32>
        %squeeze3A_241 = vector.extract %slice3A_240[0] : f32 from vector<1xf32>
        %add3A_242 = arith.addf %add3A_166, %squeeze3A_241 : f32
        scf.yield %add3A_185, %add3A_204, %add3A_223, %add3A_242 : f32, f32, f32, f32
      }
      %scan3A_78 = arith.constant 128 : i32
      %mul3A_79 = arith.constant 4 : i32
      %mul3A_80 = arith.muli %scan3A_30, %mul3A_79 : i32
      %add3A_81 = arith.addi %mul3A_2, %mul3A_80 : i32
      %dma_start3A_82 = arith.constant 4096 : i32
      %dma_start3A_83 = tpu.memref_slice %arg3[%add3A_81, %dma_start3A_82] : memref<4096x8192xf32, #tpu.memory_space<hbm>> -> memref<4x4096xf32, #tpu.memory_space<hbm>>
      %dma_start3A_84 = arith.constant 4096 : i32
      %dma_start3A_85 = tpu.memref_slice %arg3[%add3A_81, %dma_start3A_84] : memref<4096x8192xf32, #tpu.memory_space<hbm>> -> memref<4x4096xf32, #tpu.memory_space<hbm>>
      tpu.enqueue_dma source(%arg7 : memref<4x4096xf32, #tpu.memory_space<vmem>>) target(%dma_start3A_85 : memref<4x4096xf32, #tpu.memory_space<hbm>>) target_semaphore(%arg11 : memref<!tpu.dma_semaphore, #tpu.memory_space<semaphore_mem>>)
      %lt3A_86 = arith.constant 31 : i32
      %lt3A_87 = arith.cmpi slt, %scan3A_30, %lt3A_86 : i32
      %convert_element_type3A_88 = arith.extui %lt3A_87 : i1 to i32
      %cond3A_89 = arith.constant 0 : i32
      %cond3A_90 = arith.cmpi ne, %convert_element_type3A_88, %cond3A_89 : i32
      scf.if %cond3A_90 {
        %add3A_91 = arith.constant 1 : i32
        %add3A_92 = arith.addi %scan3A_30, %add3A_91 : i32
        %mul3A_93 = arith.constant 4 : i32
        %mul3A_94 = arith.muli %add3A_92, %mul3A_93 : i32
        %add3A_95 = arith.addi %mul3A_2, %mul3A_94 : i32
        %dma_start3A_96 = arith.constant 4096 : i32
        %dma_start3A_97 = tpu.memref_slice %arg2[%add3A_95, %dma_start3A_96] : memref<4096x8192xf32, #tpu.memory_space<hbm>> -> memref<4x4096xf32, #tpu.memory_space<hbm>>
        %dma_start3A_98 = arith.constant 4096 : i32
        %dma_start3A_99 = tpu.memref_slice %arg2[%add3A_95, %dma_start3A_98] : memref<4096x8192xf32, #tpu.memory_space<hbm>> -> memref<4x4096xf32, #tpu.memory_space<hbm>>
        tpu.enqueue_dma source(%dma_start3A_99 : memref<4x4096xf32, #tpu.memory_space<hbm>>) target(%arg5 : memref<4x4096xf32, #tpu.memory_space<vmem>>) target_semaphore(%arg9 : memref<!tpu.dma_semaphore, #tpu.memory_space<semaphore_mem>>)
      } else {
      }
    }
    %scan3A_18 = arith.constant 32 : i32
    %add3A_19 = arith.constant 124 : i32
    %add3A_20 = arith.addi %mul3A_2, %add3A_19 : i32
    %dma_wait3A = arith.constant 0 : i32
    %dma_wait3A_21 = tpu.memref_slice %arg3[%add3A_20, %dma_wait3A] : memref<4096x8192xf32, #tpu.memory_space<hbm>> -> memref<4x4096xf32, #tpu.memory_space<hbm>>
    %dma_wait3A_22 = arith.constant 0 : i32
    %dma_wait3A_23 = tpu.memref_slice %arg3[%add3A_20, %dma_wait3A_22] : memref<4096x8192xf32, #tpu.memory_space<hbm>> -> memref<4x4096xf32, #tpu.memory_space<hbm>>
    tpu.wait_dma2 semaphore(%arg10 : memref<!tpu.dma_semaphore, #tpu.memory_space<semaphore_mem>>) src(%arg6 : memref<4x4096xf32, #tpu.memory_space<vmem>>) dst(%dma_wait3A_23 : memref<4x4096xf32, #tpu.memory_space<hbm>>)
    %add3A_24 = arith.constant 124 : i32
    %add3A_25 = arith.addi %mul3A_2, %add3A_24 : i32
    %dma_wait3A_26 = arith.constant 4096 : i32
    %dma_wait3A_27 = tpu.memref_slice %arg3[%add3A_25, %dma_wait3A_26] : memref<4096x8192xf32, #tpu.memory_space<hbm>> -> memref<4x4096xf32, #tpu.memory_space<hbm>>
    %dma_wait3A_28 = arith.constant 4096 : i32
    %dma_wait3A_29 = tpu.memref_slice %arg3[%add3A_25, %dma_wait3A_28] : memref<4096x8192xf32, #tpu.memory_space<hbm>> -> memref<4x4096xf32, #tpu.memory_space<hbm>>
    tpu.wait_dma2 semaphore(%arg11 : memref<!tpu.dma_semaphore, #tpu.memory_space<semaphore_mem>>) src(%arg7 : memref<4x4096xf32, #tpu.memory_space<vmem>>) dst(%dma_wait3A_29 : memref<4x4096xf32, #tpu.memory_space<hbm>>)
    return
  }
}

</mosaic_0001>

<sc_bundles>
// kernel: kernel.3.cloned.1.call-start
scs
__scs_entry_jumppad:
0x0: {  	(pc) =	sbr.rel $0x88, $3  }
0x1: {  	(tag) =	ssettag $0x0;
	lr =	simm.s32 $0x1  }
0x2: {  	[smem:$0x3FA0] =	sst lr;
	_ =	strace $0xD0000000  }
0x3: {  	_ = 	snop  }
0x4: {  	_ = 	snop  }
0x5: {  	_ = 	snop  }
0x6: {  	_ = 	snop  }
0x7: {  	_ = 	snop  }
__scs_overlays_trampoline_lowered:
0x8: {  	[smem:$0x3FAF] =	sst s0  }
0x9: {  	[smem:$0x3FB0] =	sst s1  }
0xa: {  	[smem:$0x3FB1] =	sst s2  }
0xb: {  	[smem:$0x3FB2] =	sst s3  }
0xc: {  	[smem:$0x3FB3] =	sst s4  }
0xd: {  	[smem:$0x3FB4] =	sst s5  }
0xe: {  	[smem:$0x3FB5] =	sst s6  }
0xf: {  	[smem:$0x3FB6] =	sst s7  }
0x10: {  	[smem:$0x3FB7] =	sst s8  }
0x11: {  	[smem:$0x3FB8] =	sst s9;
	s0 =	simm.s32 @!p0 $0x0  }
0x12: {  	s1 =	sld [smem:$0x3F9E];
	s0 =	simm.s32 @p0 $0x1  }
0x13: {  	[smem:$0x3FB9] =	sst s0;
	s0 =	simm.s32 @!p1 $0x0  }
0x14: {  	s2 =	sld [smem:$0x3F9D];
	s0 =	simm.s32 @p1 $0x1  }
0x15: {  	[smem:$0x3FBA] =	sst s0;
	s0 =	simm.s32 @!p2 $0x0  }
0x16: {  	s3 =	sld [smem:$0x3FDB];
	s0 =	simm.s32 @p2 $0x1  }
0x17: {  	s4 =	simm.s32 $0x1BF5;
	[smem:$0x3FBC] =	sst s0  }
0x18: {  	s0 =	sld [smem:$0x3F9F];
	_ =	swait.ge [sflag:s4], $0x0  }
0x19: {  	s7 =	sld [smem:$0x3FA0]  }
0x1a: {  	s8 =	sadd.s32 $0xFFFFE003, lr  }
0x1b: {  	s9 =	sadd.s32 $0xFFFFFEF7, lr;
	s5 =	simm.s32 $0xFFFFFFFF;
	p2 =	slt.u32 s8, $0xFFFFF086  }
0x1c: {  	p1 =	slt.u32 s9, $0xF7A;
	s5 =	simm.s32 @!p2 $0x0  }
0x1d: {  	s5 =	simm.s32 @p1 $0x1;
	p0 =	seq.s32 s7, s2  }
0x1e: {  	s7 =	smul.u32 @!p0 $0xF7A, s2;
	p2 =	seq.s32 @!p0 s5, $0x0  }
0x1f: {  	s9 =	smul.u32 $0xF7A, s1;
	s8 =	simm.s32 @!p0 $0x1BF5;
	p2 =	por !p2, p0  }
0x20: {  	[sflag:s8] =	ssyncset.s32 @!p0 $0xFFFFF086;
	s6 =	sadd.s32 @!p0 s3, s7;
	s7 =	simm.s32 @!p0 $0x108  }
0x21: {  	s3 =	sadd.s32 s3, s9;
	s6 =	sadd.s32 @!p0 $0x88, s6;
	s7 =	simm.s32 @p2 $0x1082  }
0x22: {  	[simem:s7], [sflag:s8] =	dma.local @!p0 [hbm:s6], $0xF7A  }
0x23: {  	s9 =	sor.u32 $0xD0000000, s2;
	s6 =	simm.s32 $0x108;
	_ =	swait.ge @!p0 [sflag:s8], $0x0  }
0x24: {  	s3 =	sadd.s32 $0x88, s3;
	s6 =	simm.s32 @!p1 $0x1082;
	[sflag:s4] =	ssyncset.s32 $0xFFFFF086  }
0x25: {  	[simem:s6], [sflag:s4] =	dma.local [hbm:s3], $0xF7A  }
0x26: {  	[smem:$0x3FA0] =	sst s1;
	(tag) =	ssettag s2;
	_ =	strace s9  }
0x27: {  	s1 =	sld [smem:$0x3FB0]  }
0x28: {  	s2 =	sld [smem:$0x3FB1]  }
0x29: {  	s4 =	sld [smem:$0x3FB3]  }
0x2a: {  	p0 =	seq.s32 s5, $0x0;
	s5 =	sld [smem:$0x3FB4]  }
0x2b: {  	s6 =	sld [smem:$0x3FB5]  }
0x2c: {  	s7 =	sld [smem:$0x3FB6]  }
0x2d: {  	s3 =	simm.s32 $0x108;
	s8 =	sld [smem:$0x3FB7]  }
0x2e: {  	s3 =	simm.s32 @!p0 $0x1082;
	s9 =	sld [smem:$0x3FB8]  }
0x2f: {  	lr =	sadd.s32 s0, s3;
	s0 =	sld [smem:$0x3FAF]  }
0x30: {  	s3 =	sld [smem:$0x3FB2]  }
0x31: {  	[smem:$0x3FBB] =	sst s10  }
0x32: {  	s10 =	sld [smem:$0x3FB9];
	_ =	sdelay $0x3  }
0x33: {  	p0 =	seq.s32 s10, $0x1;
	s10 =	sld [smem:$0x3FBB];
	_ =	sdelay $0x3  }
0x34: {  	[smem:$0x3FBB] =	sst s10  }
0x35: {  	s10 =	sld [smem:$0x3FBA];
	_ =	sdelay $0x3  }
0x36: {  	p1 =	seq.s32 s10, $0x1;
	s10 =	sld [smem:$0x3FBB];
	_ =	sdelay $0x3  }
0x37: {  	[smem:$0x3FBB] =	sst s10  }
0x38: {  	s10 =	sld [smem:$0x3FBC]  }
0x39: {  	_ = 	snop;
	(pc) =	sbr.ind lr, $3  }
0x3a: {  	_ = 	snop  }
0x3b: {  	_ = 	snop  }
0x3c: {  	p2 =	seq.s32 s10, $0x1;
	s10 =	sld [smem:$0x3FBB]  }
0x3d: {  	_ =	shalt  }
0x3e: {  	_ =	shalt  }
0x3f: {  	_ =	shalt  }
0x40: {  	_ =	shalt  }
0x41: {  	_ =	shalt  }
0x42: {  	_ =	shalt  }
0x43: {  	_ =	shalt  }
0x44: {  	_ =	shalt  }
0x45: {  	_ =	shalt  }
0x46: {  	_ =	shalt  }
0x47: {  	_ =	shalt  }
0x48: {  	_ =	shalt  }
0x49: {  	_ =	shalt  }
0x4a: {  	_ =	shalt  }
0x4b: {  	_ =	shalt  }
0x4c: {  	_ =	shalt  }
0x4d: {  	_ =	shalt  }
0x4e: {  	_ =	shalt  }
0x4f: {  	_ =	shalt  }
0x50: {  	_ =	shalt  }
0x51: {  	_ =	shalt  }
0x52: {  	_ =	shalt  }
0x53: {  	_ =	shalt  }
0x54: {  	_ =	shalt  }
0x55: {  	_ =	shalt  }
0x56: {  	_ =	shalt  }
0x57: {  	_ =	shalt  }
0x58: {  	_ =	shalt  }
0x59: {  	_ =	shalt  }
0x5a: {  	_ =	shalt  }
0x5b: {  	_ =	shalt  }
0x5c: {  	_ =	shalt  }
0x5d: {  	_ =	shalt  }
0x5e: {  	_ =	shalt  }
0x5f: {  	_ =	shalt  }
0x60: {  	_ =	shalt  }
0x61: {  	_ =	shalt  }
0x62: {  	_ =	shalt  }
0x63: {  	_ =	shalt  }
0x64: {  	_ =	shalt  }
0x65: {  	_ =	shalt  }
0x66: {  	_ =	shalt  }
0x67: {  	_ =	shalt  }
0x68: {  	_ =	shalt  }
0x69: {  	_ =	shalt  }
0x6a: {  	_ =	shalt  }
0x6b: {  	_ =	shalt  }
0x6c: {  	_ =	shalt  }
0x6d: {  	_ =	shalt  }
0x6e: {  	_ =	shalt  }
0x6f: {  	_ =	shalt  }
0x70: {  	_ =	shalt  }
0x71: {  	_ =	shalt  }
0x72: {  	_ =	shalt  }
0x73: {  	_ =	shalt  }
0x74: {  	_ =	shalt  }
0x75: {  	_ =	shalt  }
0x76: {  	_ =	shalt  }
0x77: {  	_ =	shalt  }
0x78: {  	_ =	shalt  }
0x79: {  	_ =	shalt  }
0x7a: {  	_ =	shalt  }
0x7b: {  	_ =	shalt  }
0x7c: {  	_ =	shalt  }
0x7d: {  	_ =	shalt  }
0x7e: {  	_ =	shalt  }
0x7f: {  	_ =	shalt  }
0x80: {  	_ =	shalt  }
0x81: {  	_ =	shalt  }
0x82: {  	_ =	shalt  }
0x83: {  	_ =	shalt  }
0x84: {  	_ =	shalt  }
0x85: {  	_ =	shalt  }
0x86: {  	_ =	shalt  }
0x87: {  	_ =	shalt  }
.Lfunc_end0:
.L_simem_size_0:
called_computation_lowered:
.L_overlay_start_0:
0x88: {  	s2 =	sld [smem:$0x3FD9]  }
0x89: {  	s3 =	sld [smem:$0x3FFE];
	_ =	sdelay $0x1  }
0x8a: {  	s1 =	srdreg.scid  }
0x8b: {  	s0 =	sand.u32 $0x1, s1  }
0x8c: {  	s18 =	sshll.u32 s0, $0xA;
	s2 =	sadd.s32 s3, s2  }
0x8d: {  	s2 =	sadd.s32 s2, s18  }
0x8e: {  	[smem:$0x3FC7] =	sst s2  }
0x8f: {  	_ = 	snop  }
0x90: {  	s2 =	sld [smem:$0x3FC9]  }
0x91: {  	s19 =	sld [smem:$0x3FD0];
	(tm) =	ssettm $0x1  }
0x92: {  	s4 =	sld [smem:$0x3FFB];
	_ =	sdelay $0x3  }
0x93: {  	_ =	strace s4  }
0x94: {  	s4 =	sld [smem:$0x3FFC];
	_ =	sdelay $0x3  }
0x95: {  	_ =	strace s4  }
0x96: {  	s4 =	sld [smem:$0x3FFD];
	_ =	sdelay $0x3  }
0x97: {  	_ =	strace s4  }
0x98: {  	_ =	strace $0x8FFFFFFF  }
0x99: {  	s20 =	sld [smem:$0x3FDB];
	_ =	sdelay $0x1  }
0x9a: {  	s5 =	simm.s32 $_scs_section_size  }
0x9b: {  	s6 =	simm.s32 $_size__tile_overlayer_lowered;
	s7 =	simm.s32 $_tile_overlayer_lowered  }
0x9c: {  	s23 =	simm.s32 $0x1BFF;
	s22 =	sshll.u32 s7, $0x1;
	s4 =	sadd.s32 s5, s20  }
0x9d: {  	s8 =	simm.s32 $0x0;
	s21 =	sshll.u32 s6, $0x1;
	s6 =	sadd.s32 s22, s4  }
0x9e: {  	[timem:s8], [sflag:s23] =	dma.local [hbm:s6], s21  }
0x9f: {  	_ =	swait.ge [sflag:s23], s21  }
0xa0: {  	s5 =	ssub.s32 $0x0, s21;
	[sflag:s23] =	ssyncset.done $0x0  }
0xa1: {  	[sflag:s23] =	ssyncadd.s32 s5;
	_ =	sdelay $0x1  }
0xa2: {  	s24 =	simm.s32 $0x1B8B  }
0xa3: {  	_ =	swait.ge [sflag:s24], $0x1  }
0xa4: {  	[sflag:s24] =	ssyncset.done $0x0  }
0xa5: {  	s25 =	simm.s32 $0x1B8E;
	[sflag:s24] =	ssyncadd.s32 $0xFFFFFFFF  }
0xa6: {  	s26 =	simm.s32 $execute0_lowered;
	[smem:$0x3FD2] =	sst s25  }
0xa7: {  	s5 =	sshll.u32 s26, $0x1;
	_ =	strace $0x80000046;
	[dreg:$0x1] =	wrdreg $0xFFFFFFFF  }
0xa8: {  	s28 =	simm.s32 $_size_execute0_lowered;
	s4 =	sadd.s32 s4, s5;
	[dreg:$0x0] =	wrdreg $0x0  }
0xa9: {  	s5 =	sshll.u32 s28, $0x1;
	[dreg:$0x2] =	wrdreg s4  }
0xaa: {  	[dreg:$0x3] =	wrdreg s5  }
0xab: {  	[dreg:$0x4] =	wrdreg $0xC0  }
0xac: {  	_ =	task [dreg:s8], $0x5FFFF  }
0xad: {  	[dreg:$0x1] =	wrdreg $0xFFFFFFFF  }
0xae: {  	[dreg:$0x0] =	wrdreg $0x60  }
0xaf: {  	[dreg:$0x2] =	wrdreg s2  }
0xb0: {  	[dreg:$0x3] =	wrdreg s19  }
0xb1: {  	[dreg:$0x4] =	wrdreg $0x9  }
0xb2: {  	_ =	task.clear_ibuf [dreg:s8], $0x5FFFF;
	_ =	strace $0x90000046  }
0xb3: {  	s29 =	simm.s32 $0x9;
	_ =	strace $0x80000048  }
0xb4: {  	_ =	swait.ge [sflag:s29], $0x1  }
0xb5: {  	[sflag:s29] =	ssyncadd.s32 $0xFFFFFFFF  }
0xb6: {  	_ =	strace $0x90000048  }
0xb7: {  	_ =	sfence  }
0xb8: {  	s30 =	sld [smem:$0x0];
	_ =	sdelay $0x2  }
0xb9: {  	s31 =	sshll.u32 s1, $0xD;
	s1 =	sshrl.u32 s1, $0x2  }
0xba: {  	s3 =	sand.u32 $0x4000, s31;
	s1 =	sadd.s32 s1, s30  }
0xbb: {  	s0 =	sor.u32 s3, s0;
	s1 =	sshll.u32 s1, $0x11  }
0xbc: {  	s0 =	sor.u32 s1, s0  }
0xbd: {  	s0 =	sadd.s32 $0x8F2B, s0  }
0xbe: {  	[sflag:s0] =	ssyncadd.remote.s32 $0x1  }
0xbf: {  	_ =	sfence.sel $0xFFFF  }
0xc0: {  	[dreg:$0x0] =	wrdreg $0xFFFFFFFF;
	(pc) =	sbr.abs _section_cstart, $3  }
0xc1: {  	[dreg:$0x1] =	wrdreg $0xFFFFFFFF  }
0xc2: {  	_ =	task.clear_ibuf [dreg:s8], $0x2FFFF;
	_ =	strace $0x9FFFFFFF  }
0xc3: {  	(tm) =	ssettm $0x7FFFFFFF  }
tec
execute0_lowered:
.L_overlay_start_1:
0x0: {  	(tag) =	ssettag $0x1  }
0x1: {  	s0 =	srdreg.scid;
	s2 =	rddreg [dreg:$0x0]  }
0x2: {  	s1 =	stileid.u32;
	s3 =	rddreg [dreg:$0x1];
	s5 =	simm.s32 $0x0  }
0x3: {  	s10 =	simm.s32 $0x200;
	s11 =	simm.s32 $0x400;
	s12 =	simm.s32 $0x4000  }
0x4: {  	s13 =	simm.s32 $0x1;
	s14 =	simm.s32 $0x8000;
	s0 =	sand.u32 $0x1, s0  }
0x5: {  	s15 =	simm.s32 $0x2;
	s1 =	sshll.u32 s1, $0x8;
	s4 =	sshll.u32 s0, $0x7  }
0x6: {  	s16 =	simm.s32 $0xC000;
	s0 =	ssub.s32 $0x2, s0;
	s4 =	sor.u32 s4, s1  }
.Ltmp0:
0x7: {  	s31 =	sshrl.u32 s0, $0x1;
	s1 =	sshll.u32 s4, $0xA;
	(pc) =	sbr.rel .LBB2_1-.Ltmp0, $4  }
0x8: {  	[smem:$0x7FF] =	sst s5;
	s0 =	ssub.s32 s0, s31;
	s1 =	sadd.s32 s2, s1  }
0x9: {  	_ =	strace $0x80000047;
	s0 =	smax.u32 s0, $0x1;
	[dreg:$0x3] =	wrdreg s1  }
0xa: {  	s18 =	simm.s32 $0x4;
	s1 =	sadd.s32 $0x1000, s1;
	[dreg:$0x5] =	wrdreg s0  }
0xb: {  	s19 =	simm.s32 $0x0;
	s8 =	sshll.u32 s4, $0xD;
	[dreg:$0x4] =	wrdreg s1  }
.LBB2_8:
0xc: {  	s0 =	simm.s32 $0x3  }
0xd: {  	_ =	swait.ge [sflag:s0], $0x4000  }
0xe: {  	[sflag:s0] =	ssyncset.done $0x0  }
0xf: {  	[sflag:s0] =	ssyncadd.s32 $0xFFFFC000  }
0x10: {  	_ =	swait.ge [sflag:s18], $0x4000  }
0x11: {  	s19 =	sadd.s32 $0x1, s19;
	s31 =	rddreg [dreg:$0x5]  }
0x12: {  	p0 =	sne.s32 s19, s31  }
.Ltmp1:
0x13: {  	_ = 	snop;
	(pc) =	sbr.rel @!p0 .LBB2_9-.Ltmp1, $3  }
0x14: {  	_ =	sdelay $0x1  }
0x15: {  	[sflag:s18] =	ssyncset.done $0x0  }
0x16: {  	[sflag:s18] =	ssyncadd.s32 $0xFFFFC000  }
.LBB2_1:
0x17: {  	s0 =	simm.s32 $0x0;
	s1 =	rddreg [dreg:$0x3]  }
0x18: {  	[tilespmem:s0], [sflag:$0x1] =	stream.strided.gather [hbm4b:s1+s10], $0x4000, s11, s10, $0x38;
	[tilespmem:$0x10000] =	vst v63  }
0x19: {  	s31 =	rddreg [dreg:$0x4];
	s20 =	simm.s32 $0x0  }
0x1a: {  	[tilespmem:s12], [sflag:$0x2] =	stream.strided.gather [hbm4b:s31+s10], $0x4000, s11, s10, $0x38;
	[tilespmem:$0x10000] =	vst v63  }
.LBB2_2:
0x1b: {  	_ =	swait.ge [sflag:s13], $0x4000  }
0x1c: {  	p0 =	seq.s32 s20, $0x0;
	[sflag:s13] =	ssyncset.done $0x0  }
0x1d: {  	s0 =	simm.s32 @!p0 $0x3;
	[sflag:s13] =	ssyncadd.s32 $0xFFFFC000  }
0x1e: {  	s23 =	simm.s32 $0x0;
	_ =	swait.ge @!p0 [sflag:s0], $0x4000  }
0x1f: {  	s1 =	sand.u32 $0x60, s23;
	s5 =	sand.u32 $0x3E00, s23;
	[sflag:s0] =	ssyncset.done @!p0 $0x0  }
0x20: {  	s1 =	sor.u32 s1, s5;
	[sflag:s0] =	ssyncadd.s32 @!p0 $0xFFFFC000  }
0x21: {  	v0 =	vld [tilespmem:s1+$0x80]  }
0x22: {  	v1 =	vld [tilespmem:s1+$0x0]  }
0x23: {  	v2 =	vld [tilespmem:s1+$0x100];
	_ =	sdelay $0x2  }
0x24: {  	(xrf2) =	vadd.scan.msk.f32 $0xffff, v0  }
0x25: {  	(xrf2) =	vadd.scan.msk.f32 $0xffff, v1  }
0x26: {  	(xrf2) =	vadd.scan.msk.f32 $0xffff, v2;
	_ =	sdelay $0x7  }
0x27: {  	v3, _, _ =	vpop (xrf2)  }
0x28: {  	v4, _, _ =	vpop (xrf2);
	v0 =	vsub.f32 v3, v0  }
0x29: {  	s0 =	simm.f32 $0.0e+00;
	v1 =	vsub.f32 v4, v1;
	v5, _, _ =	vpop (xrf2)  }
0x2a: {  	v0 =	vadd.f32 s0, v0;
	v2 =	vsub.f32 v5, v2  }
0x2b: {  	s9 =	sand.u32 $0x3, s23;
	v1 =	vadd.f32 s0, v1  }
0x2c: {  	s5 =	sshll.u32 s9, $0x5;
	[tilespmem:s1+$0x8080] =	vst v0;
	v0 =	vadd.f32 s0, v2  }
0x2d: {  	s5 =	sadd.s32 $0x0, s5;
	[tilespmem:s1+$0x8000] =	vst v1  }
0x2e: {  	s7 =	sor.u32 $0x180, s5;
	[tilespmem:s1+$0x8100] =	vst v0  }
0x2f: {  	v0 =	vld [tilespmem:s7+$0x0];
	_ =	sdelay $0x4  }
0x30: {  	(xrf2) =	vadd.scan.msk.f32 $0xffff, v0;
	_ =	sdelay $0x9  }
0x31: {  	v1, _, _ =	vpop (xrf2)  }
0x32: {  	v0 =	vsub.f32 v1, v0;
	_ =	sdelay $0x1  }
0x33: {  	v0 =	vadd.f32 s0, v0;
	_ =	sdelay $0x1  }
0x34: {  	(v2sf) =	vpush v3, $0xF;
	[tilespmem:s7+$0x8000] =	vst v0  }
0x35: {  	(v2sf) =	vpush v4, $0xF;
	v0 =	vld [tilespmem:s1+$0x10]  }
0x36: {  	(v2sf) =	vpush v5, $0xF;
	v2 =	vld [tilespmem:s1+$0x110]  }
0x37: {  	v3 =	vld [tilespmem:s1+$0x90];
	_ =	sdelay $0x2  }
0x38: {  	(xrf2) =	vadd.scan.msk.f32 $0xffff, v0  }
0x39: {  	(xrf2) =	vadd.scan.msk.f32 $0xffff, v2  }
0x3a: {  	(xrf2) =	vadd.scan.msk.f32 $0xffff, v3;
	_ =	sdelay $0x6  }
0x3b: {  	s17 =	spop (v2sf)  }
0x3c: {  	s21 =	spop (v2sf);
	v62, _, _ =	vpop (xrf2)  }
0x3d: {  	s22 =	spop (v2sf);
	s25 =	sadd.f32 s21, s0;
	v0 =	vsub.f32 v62, v0;
	v63, _, _ =	vpop (xrf2)  }
0x3e: {  	s26 =	sadd.f32 s22, s0;
	v2 =	vsub.f32 v63, v2;
	v6, _, _ =	vpop (xrf2)  }
0x3f: {  	s30 =	sadd.f32 s17, s0;
	v0 =	vadd.f32 s25, v0;
	v3 =	vsub.f32 v6, v3  }
0x40: {  	(v2sf) =	vpush v1, $0xF;
	v1 =	vadd.f32 s26, v2  }
0x41: {  	(v2sf) =	vpush v62, $0xF;
	[tilespmem:s1+$0x8010] =	vst v0;
	v0 =	vadd.f32 s30, v3  }
0x42: {  	s5 =	sadd.s32 $0x10, s5;
	(v2sf) =	vpush v63, $0xF;
	[tilespmem:s1+$0x8110] =	vst v1  }
0x43: {  	s5 =	sor.u32 $0x180, s5;
	(v2sf) =	vpush v6, $0xF;
	[tilespmem:s1+$0x8090] =	vst v0  }
0x44: {  	v0 =	vld [tilespmem:s5+$0x0];
	_ =	sdelay $0x4  }
0x45: {  	(xrf2) =	vadd.scan.msk.f32 $0xffff, v0;
	_ =	sdelay $0x3  }
0x46: {  	s21 =	sshll.u32 s20, $0xF  }
0x47: {  	s31 =	simm.s32 $0x20;
	s28 =	simm.s32 $0x80;
	s21 =	sadd.s32 s8, s21  }
0x48: {  	s22 =	sshll.u32 s20, $0x9;
	s24 =	sand.u32 $0x1FF0000, s21;
	s6 =	spop (v2sf)  }
0x49: {  	s22 =	sand.u32 $0x200, s22;
	s0 =	sadd.f32 s6, s0;
	s9 =	spop (v2sf)  }
0x4a: {  	s24 =	sor.u32 s22, s24;
	s29 =	sadd.f32 s9, s25;
	s17 =	spop (v2sf)  }
0x4b: {  	s7 =	simm.s32 $0x40;
	s26 =	sadd.f32 s17, s26;
	s25 =	spop (v2sf)  }
0x4c: {  	s1 =	sand.u32 $0x60, s31;
	s31 =	sand.u32 $0x3E00, s28;
	s25 =	sadd.f32 s25, s30;
	v1, _, _ =	vpop (xrf2)  }
.LBB2_3:
0x4d: {  	s1 =	sor.u32 s1, s31  }
0x4e: {  	v0 =	vsub.f32 v1, v0;
	s23 =	sadd.s32 $0x1, s23;
	(v2sf) =	vpush v1, $0xF;
	s31 =	smov.u32 s7;
	s30 =	sadd.s32 $0x20, s7  }
0x4f: {  	p1 =	sne.s32 s7, $0xFE0  }
0x50: {  	v0 =	vadd.f32 s0, v0;
	_ =	sdelay $0x1  }
0x51: {  	[tilespmem:s5+$0x8000] =	vst v0  }
0x52: {  	v0 =	vld [tilespmem:s1+$0x80];
	_ =	sdelay $0x1  }
0x53: {  	v1 =	vld [tilespmem:s1+$0x0];
	_ =	sdelay $0x1  }
0x54: {  	v2 =	vld [tilespmem:s1+$0x100]  }
0x55: {  	(xrf2) =	vadd.scan.msk.f32 $0xffff, v0;
	_ =	sdelay $0x2  }
0x56: {  	(xrf2) =	vadd.scan.msk.f32 $0xffff, v1;
	_ =	sdelay $0x1  }
0x57: {  	s5 =	spop (v2sf)  }
0x58: {  	(xrf2) =	vadd.scan.msk.f32 $0xffff, v2;
	s0 =	sadd.f32 s5, s0;
	_ =	sdelay $0x3  }
0x59: {  	v3, _, _ =	vpop (xrf2)  }
0x5a: {  	(v2sf) =	vpush v3, $0xF;
	_ =	sdelay $0x1  }
0x5b: {  	v4, _, _ =	vpop (xrf2)  }
0x5c: {  	v0 =	vsub.f32 v3, v0;
	v1 =	vsub.f32 v4, v1  }
0x5d: {  	(v2sf) =	vpush v4, $0xF  }
0x5e: {  	v0 =	vadd.f32 s25, v0;
	v3, _, _ =	vpop (xrf2)  }
0x5f: {  	v2 =	vsub.f32 v3, v2;
	(v2sf) =	vpush v3, $0xF  }
0x60: {  	s5 =	sand.u32 $0x3, s23;
	v1 =	vadd.f32 s29, v1  }
0x61: {  	s5 =	sshll.u32 s5, $0x5;
	[tilespmem:s1+$0x8080] =	vst v0;
	v0 =	vadd.f32 s26, v2  }
0x62: {  	s5 =	sadd.s32 s5, s28;
	[tilespmem:s1+$0x8000] =	vst v1  }
0x63: {  	s9 =	sor.u32 $0x180, s5;
	s5 =	sadd.s32 $0x10, s5;
	[tilespmem:s1+$0x8100] =	vst v0  }
0x64: {  	v0 =	vld [tilespmem:s9+$0x0];
	_ =	sdelay $0x3  }
0x65: {  	s7 =	spop (v2sf)  }
0x66: {  	(xrf2) =	vadd.scan.msk.f32 $0xffff, v0;
	_ =	sdelay $0x2  }
0x67: {  	s6 =	spop (v2sf);
	_ =	sdelay $0x1  }
0x68: {  	s17 =	spop (v2sf);
	_ =	sdelay $0x4  }
0x69: {  	v1, _, _ =	vpop (xrf2)  }
0x6a: {  	v0 =	vsub.f32 v1, v0;
	(v2sf) =	vpush v1, $0xF;
	_ =	sdelay $0x1  }
0x6b: {  	v0 =	vadd.f32 s0, v0;
	_ =	sdelay $0x1  }
0x6c: {  	[tilespmem:s9+$0x8000] =	vst v0  }
0x6d: {  	v0 =	vld [tilespmem:s1+$0x10]  }
0x6e: {  	v1 =	vld [tilespmem:s1+$0x90]  }
0x6f: {  	v2 =	vld [tilespmem:s1+$0x110];
	_ =	sdelay $0x2  }
0x70: {  	(xrf2) =	vadd.scan.msk.f32 $0xffff, v0;
	_ =	sdelay $0x2  }
0x71: {  	(xrf2) =	vadd.scan.msk.f32 $0xffff, v2;
	_ =	sdelay $0x1  }
0x72: {  	s9 =	spop (v2sf)  }
0x73: {  	s0 =	sadd.f32 s9, s0;
	(xrf2) =	vadd.scan.msk.f32 $0xffff, v1;
	_ =	sdelay $0x3  }
0x74: {  	v3, _, _ =	vpop (xrf2)  }
0x75: {  	s6 =	sadd.f32 s6, s29;
	v0 =	vsub.f32 v3, v0;
	(v2sf) =	vpush v3, $0xF;
	_ =	sdelay $0x1  }
0x76: {  	v0 =	vadd.f32 s6, v0;
	v3, _, _ =	vpop (xrf2)  }
0x77: {  	(v2sf) =	vpush v3, $0xF  }
0x78: {  	[tilespmem:s1+$0x8010] =	vst v0  }
0x79: {  	s9 =	sadd.f32 s17, s26;
	v0 =	vsub.f32 v3, v2;
	v2, _, _ =	vpop (xrf2)  }
0x7a: {  	s7 =	sadd.f32 s7, s25;
	v1 =	vsub.f32 v2, v1;
	(v2sf) =	vpush v2, $0xF  }
0x7b: {  	v0 =	vadd.f32 s9, v0  }
0x7c: {  	v1 =	vadd.f32 s7, v1  }
0x7d: {  	[tilespmem:s1+$0x8110] =	vst v0  }
0x7e: {  	s5 =	sor.u32 $0x180, s5;
	[tilespmem:s1+$0x8090] =	vst v1  }
0x7f: {  	v0 =	vld [tilespmem:s5+$0x0];
	_ =	sdelay $0x3  }
0x80: {  	s1 =	spop (v2sf)  }
0x81: {  	s29 =	sadd.f32 s1, s6;
	(xrf2) =	vadd.scan.msk.f32 $0xffff, v0;
	_ =	sdelay $0x1  }
0x82: {  	s1 =	spop (v2sf)  }
0x83: {  	s26 =	sadd.f32 s1, s9;
	_ =	sdelay $0x1  }
0x84: {  	s1 =	spop (v2sf)  }
.Ltmp2:
0x85: {  	s25 =	sadd.f32 s1, s7;
	(pc) =	sbr.rel @p1 .LBB2_3-.Ltmp2, $3  }
0x86: {  	_ =	sdelay $0x1  }
0x87: {  	s28 =	sadd.s32 $0x80, s28  }
0x88: {  	s1 =	sand.u32 $0x60, s31;
	s31 =	sand.u32 $0x3E00, s28;
	s7 =	smov.u32 s30;
	v1, _, _ =	vpop (xrf2)  }
0x89: {  	v0 =	vsub.f32 v1, v0;
	_ =	sdelay $0x1  }
0x8a: {  	v0 =	vadd.f32 s0, v0;
	_ =	sdelay $0x1  }
0x8b: {  	s6 =	sor.u32 s1, s31;
	[tilespmem:s5+$0x8000] =	vst v0  }
0x8c: {  	v0 =	vld [tilespmem:s6+$0x80]  }
0x8d: {  	v2 =	vld [tilespmem:s6+$0x0]  }
0x8e: {  	v3 =	vld [tilespmem:s6+$0x100];
	_ =	sdelay $0x2  }
0x8f: {  	(xrf2) =	vadd.scan.msk.f32 $0xffff, v0  }
0x90: {  	(xrf2) =	vadd.scan.msk.f32 $0xffff, v2  }
0x91: {  	(xrf2) =	vadd.scan.msk.f32 $0xffff, v3;
	_ =	sdelay $0x7  }
0x92: {  	v4, _, _ =	vpop (xrf2)  }
0x93: {  	v5, _, _ =	vpop (xrf2);
	v0 =	vsub.f32 v4, v0  }
0x94: {  	v2 =	vsub.f32 v5, v2;
	v6, _, _ =	vpop (xrf2)  }
0x95: {  	s30 =	sadd.s32 $0x1, s23;
	v0 =	vadd.f32 s25, v0;
	v3 =	vsub.f32 v6, v3  }
0x96: {  	s1 =	sand.u32 $0x3, s30;
	v2 =	vadd.f32 s29, v2  }
0x97: {  	s1 =	sshll.u32 s1, $0x5;
	[tilespmem:s6+$0x8080] =	vst v0;
	v0 =	vadd.f32 s26, v3  }
0x98: {  	s31 =	sadd.s32 s1, s28;
	[tilespmem:s6+$0x8000] =	vst v2  }
0x99: {  	s1 =	sor.u32 $0x180, s31;
	[tilespmem:s6+$0x8100] =	vst v0  }
0x9a: {  	(v2sf) =	vpush v1, $0xF;
	v0 =	vld [tilespmem:s1+$0x0];
	_ =	sdelay $0x4  }
0x9b: {  	(xrf2) =	vadd.scan.msk.f32 $0xffff, v0;
	_ =	sdelay $0x9  }
0x9c: {  	s7 =	spop (v2sf);
	v1, _, _ =	vpop (xrf2)  }
0x9d: {  	s7 =	sadd.f32 s7, s0;
	v0 =	vsub.f32 v1, v0;
	_ =	sdelay $0x1  }
0x9e: {  	v0 =	vadd.f32 s7, v0;
	_ =	sdelay $0x1  }
0x9f: {  	(v2sf) =	vpush v4, $0xF;
	[tilespmem:s1+$0x8000] =	vst v0  }
0xa0: {  	(v2sf) =	vpush v5, $0xF;
	v0 =	vld [tilespmem:s6+$0x10]  }
0xa1: {  	(v2sf) =	vpush v6, $0xF;
	v2 =	vld [tilespmem:s6+$0x110]  }
0xa2: {  	v3 =	vld [tilespmem:s6+$0x90];
	_ =	sdelay $0x2  }
0xa3: {  	(xrf2) =	vadd.scan.msk.f32 $0xffff, v0  }
0xa4: {  	(xrf2) =	vadd.scan.msk.f32 $0xffff, v2  }
0xa5: {  	(xrf2) =	vadd.scan.msk.f32 $0xffff, v3;
	_ =	sdelay $0x6  }
0xa6: {  	s9 =	spop (v2sf)  }
0xa7: {  	s1 =	spop (v2sf);
	v56, _, _ =	vpop (xrf2)  }
0xa8: {  	s17 =	spop (v2sf);
	s0 =	sadd.f32 s1, s29;
	v0 =	vsub.f32 v56, v0;
	v57, _, _ =	vpop (xrf2)  }
0xa9: {  	s1 =	sadd.f32 s17, s26;
	v2 =	vsub.f32 v57, v2;
	v58, _, _ =	vpop (xrf2)  }
0xaa: {  	s9 =	sadd.f32 s9, s25;
	v0 =	vadd.f32 s0, v0;
	v3 =	vsub.f32 v58, v3  }
0xab: {  	v2 =	vadd.f32 s1, v2  }
0xac: {  	[tilespmem:s6+$0x8010] =	vst v0;
	v0 =	vadd.f32 s9, v3  }
0xad: {  	s5 =	sadd.s32 $0x10, s31;
	[tilespmem:s6+$0x8110] =	vst v2  }
0xae: {  	s23 =	sor.u32 $0x180, s5;
	[tilespmem:s6+$0x8090] =	vst v0  }
0xaf: {  	v0 =	vld [tilespmem:s23+$0x0];
	_ =	sdelay $0x4  }
0xb0: {  	(xrf2) =	vadd.scan.msk.f32 $0xffff, v0;
	_ =	sdelay $0x1  }
0xb1: {  	(v2sf) =	vpush v1, $0xF;
	_ =	sdelay $0x3  }
0xb2: {  	(v2sf) =	vpush v56, $0xF  }
0xb3: {  	(v2sf) =	vpush v57, $0xF;
	_ =	sdelay $0x1  }
0xb4: {  	(v2sf) =	vpush v58, $0xF  }
0xb5: {  	v1, _, _ =	vpop (xrf2)  }
0xb6: {  	(v2sf) =	vpush v1, $0xF;
	_ =	sdelay $0x4  }
0xb7: {  	p1 =	seq.s32 s20, $0x1F  }
0xb8: {  	s25 =	spop (v2sf);
	s6 =	sshll.u32 @!p1 s20, $0x2  }
0xb9: {  	s5 =	sadd.f32 s25, s7;
	s6 =	sadd.s32 @!p1 $0x4, s6;
	v0 =	vsub.f32 v1, v0  }
0xba: {  	s26 =	sshrl.u32 s24, $0x3;
	s7 =	sadd.s32 @!p1 s4, s6;
	s6 =	sshll.u32 @!p1 s6, $0x4  }
0xbb: {  	s28 =	sadd.s32 s3, s26;
	s7 =	sshll.u32 @!p1 s7, $0xA;
	s6 =	sand.u32 @!p1 $0x40, s6;
	v0 =	vadd.f32 s5, v0  }
0xbc: {  	s7 =	sand.u32 @!p1 $0x7FE000, s7;
	s6 =	sadd.s32 @!p1 s2, s6;
	s17 =	spop (v2sf)  }
0xbd: {  	s6 =	sadd.s32 @!p1 s7, s6;
	s7 =	simm.s32 @!p1 $0x200;
	s24 =	spop (v2sf);
	[tilespmem:s23+$0x8000] =	vst v0  }
0xbe: {  	[hbm4b:s28+s10] =	stream.strided.scatter [tilespmem:s14], [sflag:$0x3], $0x4000, s11, s10, $0x38;
	[tilespmem:$0x10000] =	vst v63  }
0xbf: {  	s25 =	spop (v2sf);
	s23 =	simm.s32 @!p1 $0x400;
	s28 =	simm.s32 @!p1 $0x0  }
0xc0: {  	[tilespmem:s28], [sflag:$0x1] =	stream.strided.gather @!p1 [hbm4b:s6+s7], $0x4000, s23, s7, $0x38;
	[tilespmem:$0x10000] =	vst v63  }
0xc1: {  	s26 =	spop (v2sf)  }
0xc2: {  	_ =	swait.ge [sflag:s15], $0x4000  }
0xc3: {  	[sflag:s15] =	ssyncset.done $0x0  }
0xc4: {  	s6 =	simm.s32 @!p0 $0x4;
	[sflag:s15] =	ssyncadd.s32 $0xFFFFC000  }
0xc5: {  	s23 =	simm.s32 $0x0;
	_ =	swait.ge @!p0 [sflag:s6], $0x4000  }
0xc6: {  	s30 =	sand.u32 $0x60, s23;
	s31 =	sand.u32 $0x3E00, s23;
	[sflag:s6] =	ssyncset.done @!p0 $0x0  }
0xc7: {  	s7 =	sor.u32 s30, s31;
	[sflag:s6] =	ssyncadd.s32 @!p0 $0xFFFFC000  }
0xc8: {  	v0 =	vld [tilespmem:s7+$0x4080]  }
0xc9: {  	v1 =	vld [tilespmem:s7+$0x4000]  }
0xca: {  	v2 =	vld [tilespmem:s7+$0x4100];
	_ =	sdelay $0x2  }
0xcb: {  	(xrf2) =	vadd.scan.msk.f32 $0xffff, v0  }
0xcc: {  	(xrf2) =	vadd.scan.msk.f32 $0xffff, v1  }
0xcd: {  	(xrf2) =	vadd.scan.msk.f32 $0xffff, v2;
	_ =	sdelay $0x7  }
0xce: {  	v3, _, _ =	vpop (xrf2)  }
0xcf: {  	s6 =	sadd.f32 s25, s9;
	v59, _, _ =	vpop (xrf2);
	v0 =	vsub.f32 v3, v0  }
0xd0: {  	s0 =	sadd.f32 s17, s0;
	v1 =	vsub.f32 v59, v1;
	v60, _, _ =	vpop (xrf2)  }
0xd1: {  	s1 =	sadd.f32 s24, s1;
	v0 =	vadd.f32 s6, v0;
	v2 =	vsub.f32 v60, v2  }
0xd2: {  	s24 =	sand.u32 $0x3, s23;
	v1 =	vadd.f32 s0, v1  }
0xd3: {  	s9 =	sshll.u32 s24, $0x5;
	[tilespmem:s7+$0xC080] =	vst v0;
	v0 =	vadd.f32 s1, v2  }
0xd4: {  	s9 =	sadd.s32 $0x0, s9;
	[tilespmem:s7+$0xC000] =	vst v1  }
0xd5: {  	s25 =	sor.u32 $0x180, s9;
	[tilespmem:s7+$0xC100] =	vst v0  }
0xd6: {  	v0 =	vld [tilespmem:s25+$0x4000];
	_ =	sdelay $0x4  }
0xd7: {  	(xrf2) =	vadd.scan.msk.f32 $0xffff, v0;
	_ =	sdelay $0x9  }
0xd8: {  	v1, _, _ =	vpop (xrf2)  }
0xd9: {  	s24 =	sadd.f32 s26, s5;
	v0 =	vsub.f32 v1, v0;
	_ =	sdelay $0x1  }
0xda: {  	v0 =	vadd.f32 s24, v0;
	_ =	sdelay $0x1  }
0xdb: {  	(v2sf) =	vpush v3, $0xF;
	[tilespmem:s25+$0xC000] =	vst v0  }
0xdc: {  	(v2sf) =	vpush v59, $0xF;
	v0 =	vld [tilespmem:s7+$0x4010]  }
0xdd: {  	(v2sf) =	vpush v60, $0xF;
	v2 =	vld [tilespmem:s7+$0x4110]  }
0xde: {  	v3 =	vld [tilespmem:s7+$0x4090];
	_ =	sdelay $0x2  }
0xdf: {  	(xrf2) =	vadd.scan.msk.f32 $0xffff, v0  }
0xe0: {  	(xrf2) =	vadd.scan.msk.f32 $0xffff, v2  }
0xe1: {  	(xrf2) =	vadd.scan.msk.f32 $0xffff, v3;
	_ =	sdelay $0x6  }
0xe2: {  	s28 =	spop (v2sf)  }
0xe3: {  	s30 =	spop (v2sf);
	v61, _, _ =	vpop (xrf2)  }
0xe4: {  	s31 =	spop (v2sf);
	s17 =	sadd.f32 s30, s0;
	v0 =	vsub.f32 v61, v0;
	v62, _, _ =	vpop (xrf2)  }
0xe5: {  	s1 =	sadd.f32 s31, s1;
	v2 =	vsub.f32 v62, v2;
	v63, _, _ =	vpop (xrf2)  }
0xe6: {  	s6 =	sadd.f32 s28, s6;
	v0 =	vadd.f32 s17, v0;
	v3 =	vsub.f32 v63, v3  }
0xe7: {  	(v2sf) =	vpush v1, $0xF;
	v1 =	vadd.f32 s1, v2  }
0xe8: {  	(v2sf) =	vpush v61, $0xF;
	[tilespmem:s7+$0xC010] =	vst v0;
	v0 =	vadd.f32 s6, v3  }
0xe9: {  	s25 =	sadd.s32 $0x10, s9;
	(v2sf) =	vpush v62, $0xF;
	[tilespmem:s7+$0xC110] =	vst v1  }
0xea: {  	s5 =	sor.u32 $0x180, s25;
	(v2sf) =	vpush v63, $0xF;
	[tilespmem:s7+$0xC090] =	vst v0  }
0xeb: {  	v0 =	vld [tilespmem:s5+$0x4000];
	_ =	sdelay $0x4  }
0xec: {  	(xrf2) =	vadd.scan.msk.f32 $0xffff, v0;
	_ =	sdelay $0x5  }
0xed: {  	s21 =	sor.u32 s22, s21;
	s26 =	spop (v2sf)  }
0xee: {  	s9 =	simm.s32 $0x20;
	s0 =	sadd.f32 s26, s24;
	s28 =	spop (v2sf)  }
0xef: {  	s25 =	simm.s32 $0x80;
	s26 =	sadd.f32 s28, s17;
	s30 =	spop (v2sf)  }
0xf0: {  	s29 =	sand.u32 $0x3E00, s25;
	s24 =	sadd.f32 s30, s1;
	s31 =	spop (v2sf)  }
0xf1: {  	s7 =	simm.s32 $0x40;
	s1 =	sand.u32 $0x60, s9;
	s22 =	sadd.f32 s31, s6;
	v1, _, _ =	vpop (xrf2)  }
.LBB2_5:
0xf2: {  	s1 =	sor.u32 s1, s29  }
0xf3: {  	v0 =	vsub.f32 v1, v0;
	s23 =	sadd.s32 $0x1, s23;
	(v2sf) =	vpush v1, $0xF;
	s29 =	smov.u32 s7;
	s28 =	sadd.s32 $0x20, s7  }
0xf4: {  	p0 =	sne.s32 s7, $0xFE0  }
0xf5: {  	v0 =	vadd.f32 s0, v0;
	_ =	sdelay $0x1  }
0xf6: {  	[tilespmem:s5+$0xC000] =	vst v0  }
0xf7: {  	v0 =	vld [tilespmem:s1+$0x4080];
	_ =	sdelay $0x1  }
0xf8: {  	v1 =	vld [tilespmem:s1+$0x4000];
	_ =	sdelay $0x1  }
0xf9: {  	v2 =	vld [tilespmem:s1+$0x4100]  }
0xfa: {  	(xrf2) =	vadd.scan.msk.f32 $0xffff, v0;
	_ =	sdelay $0x2  }
0xfb: {  	(xrf2) =	vadd.scan.msk.f32 $0xffff, v1;
	_ =	sdelay $0x1  }
0xfc: {  	s5 =	spop (v2sf)  }
0xfd: {  	(xrf2) =	vadd.scan.msk.f32 $0xffff, v2;
	s0 =	sadd.f32 s5, s0;
	_ =	sdelay $0x3  }
0xfe: {  	v3, _, _ =	vpop (xrf2)  }
0xff: {  	(v2sf) =	vpush v3, $0xF;
	_ =	sdelay $0x1  }
0x100: {  	v4, _, _ =	vpop (xrf2)  }
0x101: {  	v0 =	vsub.f32 v3, v0;
	v1 =	vsub.f32 v4, v1  }
0x102: {  	(v2sf) =	vpush v4, $0xF  }
0x103: {  	v0 =	vadd.f32 s22, v0;
	v3, _, _ =	vpop (xrf2)  }
0x104: {  	v2 =	vsub.f32 v3, v2;
	(v2sf) =	vpush v3, $0xF  }
0x105: {  	s5 =	sand.u32 $0x3, s23;
	v1 =	vadd.f32 s26, v1  }
0x106: {  	s5 =	sshll.u32 s5, $0x5;
	[tilespmem:s1+$0xC080] =	vst v0;
	v0 =	vadd.f32 s24, v2  }
0x107: {  	s5 =	sadd.s32 s5, s25;
	[tilespmem:s1+$0xC000] =	vst v1  }
0x108: {  	s6 =	sor.u32 $0x180, s5;
	s5 =	sadd.s32 $0x10, s5;
	[tilespmem:s1+$0xC100] =	vst v0  }
0x109: {  	v0 =	vld [tilespmem:s6+$0x4000];
	_ =	sdelay $0x3  }
0x10a: {  	s7 =	spop (v2sf)  }
0x10b: {  	(xrf2) =	vadd.scan.msk.f32 $0xffff, v0;
	_ =	sdelay $0x2  }
0x10c: {  	s9 =	spop (v2sf);
	_ =	sdelay $0x1  }
0x10d: {  	s17 =	spop (v2sf);
	_ =	sdelay $0x4  }
0x10e: {  	v1, _, _ =	vpop (xrf2)  }
0x10f: {  	v0 =	vsub.f32 v1, v0;
	(v2sf) =	vpush v1, $0xF;
	_ =	sdelay $0x1  }
0x110: {  	v0 =	vadd.f32 s0, v0;
	_ =	sdelay $0x1  }
0x111: {  	[tilespmem:s6+$0xC000] =	vst v0  }
0x112: {  	v0 =	vld [tilespmem:s1+$0x4010]  }
0x113: {  	v1 =	vld [tilespmem:s1+$0x4090]  }
0x114: {  	v2 =	vld [tilespmem:s1+$0x4110];
	_ =	sdelay $0x2  }
0x115: {  	(xrf2) =	vadd.scan.msk.f32 $0xffff, v0;
	_ =	sdelay $0x2  }
0x116: {  	(xrf2) =	vadd.scan.msk.f32 $0xffff, v2;
	_ =	sdelay $0x1  }
0x117: {  	s6 =	spop (v2sf)  }
0x118: {  	s0 =	sadd.f32 s6, s0;
	(xrf2) =	vadd.scan.msk.f32 $0xffff, v1;
	_ =	sdelay $0x3  }
0x119: {  	v3, _, _ =	vpop (xrf2)  }
0x11a: {  	s6 =	sadd.f32 s9, s26;
	v0 =	vsub.f32 v3, v0;
	(v2sf) =	vpush v3, $0xF;
	_ =	sdelay $0x1  }
0x11b: {  	v0 =	vadd.f32 s6, v0;
	v3, _, _ =	vpop (xrf2)  }
0x11c: {  	(v2sf) =	vpush v3, $0xF  }
0x11d: {  	[tilespmem:s1+$0xC010] =	vst v0  }
0x11e: {  	s9 =	sadd.f32 s17, s24;
	v0 =	vsub.f32 v3, v2;
	v2, _, _ =	vpop (xrf2)  }
0x11f: {  	s7 =	sadd.f32 s7, s22;
	v1 =	vsub.f32 v2, v1;
	(v2sf) =	vpush v2, $0xF  }
0x120: {  	v0 =	vadd.f32 s9, v0  }
0x121: {  	v1 =	vadd.f32 s7, v1  }
0x122: {  	[tilespmem:s1+$0xC110] =	vst v0  }
0x123: {  	s5 =	sor.u32 $0x180, s5;
	[tilespmem:s1+$0xC090] =	vst v1  }
0x124: {  	v0 =	vld [tilespmem:s5+$0x4000];
	_ =	sdelay $0x3  }
0x125: {  	s1 =	spop (v2sf)  }
0x126: {  	s26 =	sadd.f32 s1, s6;
	(xrf2) =	vadd.scan.msk.f32 $0xffff, v0;
	_ =	sdelay $0x1  }
0x127: {  	s1 =	spop (v2sf)  }
0x128: {  	s24 =	sadd.f32 s1, s9;
	_ =	sdelay $0x1  }
0x129: {  	s1 =	spop (v2sf)  }
.Ltmp3:
0x12a: {  	s22 =	sadd.f32 s1, s7;
	(pc) =	sbr.rel @p0 .LBB2_5-.Ltmp3, $3  }
0x12b: {  	_ =	sdelay $0x1  }
0x12c: {  	s25 =	sadd.s32 $0x80, s25  }
0x12d: {  	s1 =	sand.u32 $0x60, s29;
	s29 =	sand.u32 $0x3E00, s25;
	s7 =	smov.u32 s28;
	v1, _, _ =	vpop (xrf2)  }
0x12e: {  	v0 =	vsub.f32 v1, v0;
	_ =	sdelay $0x1  }
0x12f: {  	v0 =	vadd.f32 s0, v0;
	_ =	sdelay $0x1  }
0x130: {  	s1 =	sor.u32 s1, s29;
	[tilespmem:s5+$0xC000] =	vst v0  }
0x131: {  	v0 =	vld [tilespmem:s1+$0x4080]  }
0x132: {  	v2 =	vld [tilespmem:s1+$0x4000]  }
0x133: {  	v3 =	vld [tilespmem:s1+$0x4100];
	_ =	sdelay $0x2  }
0x134: {  	(xrf2) =	vadd.scan.msk.f32 $0xffff, v0  }
0x135: {  	(xrf2) =	vadd.scan.msk.f32 $0xffff, v2  }
0x136: {  	(xrf2) =	vadd.scan.msk.f32 $0xffff, v3;
	_ =	sdelay $0x7  }
0x137: {  	v4, _, _ =	vpop (xrf2)  }
0x138: {  	v5, _, _ =	vpop (xrf2);
	v0 =	vsub.f32 v4, v0  }
0x139: {  	v2 =	vsub.f32 v5, v2;
	v6, _, _ =	vpop (xrf2)  }
0x13a: {  	s30 =	sadd.s32 $0x1, s23;
	v0 =	vadd.f32 s22, v0;
	v3 =	vsub.f32 v6, v3  }
0x13b: {  	s5 =	sand.u32 $0x3, s30;
	v2 =	vadd.f32 s26, v2  }
0x13c: {  	s5 =	sshll.u32 s5, $0x5;
	[tilespmem:s1+$0xC080] =	vst v0;
	v55 =	vadd.f32 s24, v3  }
0x13d: {  	s5 =	sadd.s32 s5, s25;
	[tilespmem:s1+$0xC000] =	vst v2  }
0x13e: {  	s6 =	sor.u32 $0x180, s5;
	[tilespmem:s1+$0xC100] =	vst v55  }
0x13f: {  	(v2sf) =	vpush v1, $0xF;
	v0 =	vld [tilespmem:s6+$0x4000];
	_ =	sdelay $0x4  }
0x140: {  	(xrf2) =	vadd.scan.msk.f32 $0xffff, v0;
	_ =	sdelay $0x9  }
0x141: {  	s7 =	spop (v2sf);
	v56, _, _ =	vpop (xrf2)  }
0x142: {  	s31 =	sadd.f32 s7, s0;
	v0 =	vsub.f32 v56, v0;
	_ =	sdelay $0x1  }
0x143: {  	v0 =	vadd.f32 s31, v0;
	_ =	sdelay $0x1  }
0x144: {  	(v2sf) =	vpush v4, $0xF;
	[tilespmem:s6+$0xC000] =	vst v0  }
0x145: {  	(v2sf) =	vpush v5, $0xF;
	v0 =	vld [tilespmem:s1+$0x4010]  }
0x146: {  	(v2sf) =	vpush v6, $0xF;
	v57 =	vld [tilespmem:s1+$0x4110]  }
0x147: {  	v58 =	vld [tilespmem:s1+$0x4090];
	_ =	sdelay $0x2  }
0x148: {  	(xrf2) =	vadd.scan.msk.f32 $0xffff, v0  }
0x149: {  	(xrf2) =	vadd.scan.msk.f32 $0xffff, v57  }
0x14a: {  	(xrf2) =	vadd.scan.msk.f32 $0xffff, v58;
	_ =	sdelay $0x6  }
0x14b: {  	s17 =	spop (v2sf)  }
0x14c: {  	s23 =	spop (v2sf);
	v59, _, _ =	vpop (xrf2)  }
0x14d: {  	s9 =	spop (v2sf);
	s7 =	sadd.f32 s23, s26;
	v0 =	vsub.f32 v59, v0;
	v60, _, _ =	vpop (xrf2)  }
0x14e: {  	s9 =	sadd.f32 s9, s24;
	v2 =	vsub.f32 v60, v57;
	v61, _, _ =	vpop (xrf2)  }
0x14f: {  	s6 =	sadd.f32 s17, s22;
	v0 =	vadd.f32 s7, v0;
	v3 =	vsub.f32 v61, v58  }
0x150: {  	v2 =	vadd.f32 s9, v2  }
0x151: {  	[tilespmem:s1+$0xC010] =	vst v0;
	v62 =	vadd.f32 s6, v3  }
0x152: {  	s5 =	sadd.s32 $0x10, s5;
	[tilespmem:s1+$0xC110] =	vst v2  }
0x153: {  	s24 =	sor.u32 $0x180, s5;
	[tilespmem:s1+$0xC090] =	vst v62  }
0x154: {  	v0 =	vld [tilespmem:s24+$0x4000];
	_ =	sdelay $0x4  }
0x155: {  	(xrf2) =	vadd.scan.msk.f32 $0xffff, v0;
	_ =	sdelay $0x3  }
0x156: {  	(v2sf) =	vpush v56, $0xF;
	_ =	sdelay $0x2  }
0x157: {  	(v2sf) =	vpush v59, $0xF  }
0x158: {  	(v2sf) =	vpush v60, $0xF  }
0x159: {  	(v2sf) =	vpush v61, $0xF  }
0x15a: {  	v63, _, _ =	vpop (xrf2)  }
0x15b: {  	(v2sf) =	vpush v63, $0xF;
	_ =	sdelay $0x7  }
0x15c: {  	s25 =	spop (v2sf)  }
0x15d: {  	s0 =	sadd.f32 s25, s31;
	v0 =	vsub.f32 v63, v0;
	_ =	sdelay $0x1  }
.Ltmp4:
0x15e: {  	s26 =	sshrl.u32 s21, $0x3;
	s28 =	spop (v2sf);
	v0 =	vadd.f32 s0, v0;
	(pc) =	sbr.rel @p1 .LBB2_8-.Ltmp4, $4  }
0x15f: {  	s29 =	spop (v2sf);
	s0 =	sor.u32 $0x1000, s26  }
0x160: {  	s30 =	spop (v2sf);
	s0 =	sadd.s32 s3, s0;
	[tilespmem:s24+$0xC000] =	vst v0  }
0x161: {  	[hbm4b:s0+s10] =	stream.strided.scatter [tilespmem:s16], [sflag:$0x4], $0x4000, s11, s10, $0x38;
	[tilespmem:$0x10000] =	vst v63  }
0x162: {  	s31 =	spop (v2sf)  }
0x163: {  	s0 =	sshll.u32 s20, $0x2  }
0x164: {  	s0 =	sadd.s32 $0x4, s0  }
0x165: {  	s1 =	sadd.s32 s4, s0;
	s0 =	sshll.u32 s0, $0x4  }
.Ltmp5:
0x166: {  	s1 =	sshll.u32 s1, $0xA;
	s0 =	sand.u32 $0x40, s0;
	(pc) =	sbr.rel .LBB2_2-.Ltmp5, $4  }
0x167: {  	s0 =	sor.u32 s0, s1  }
0x168: {  	s0 =	sor.u32 $0x1000, s0  }
0x169: {  	s20 =	sadd.s32 $0x1, s20;
	s0 =	sadd.s32 s2, s0  }
0x16a: {  	[tilespmem:s12], [sflag:$0x2] =	stream.strided.gather [hbm4b:s0+s10], $0x4000, s11, s10, $0x38;
	[tilespmem:$0x10000] =	vst v63  }
.LBB2_9:
0x16b: {  	_ =	sfence.sel $0x180000  }
0x16c: {  	[bflag:$0x0] =	sbarrier.arrive $0xFFFF  }
0x16d: {  	_ =	strace $0x90000047  }
0x16e: {  	s0 =	stileid.u32;
	[bflag:$0x2] =	sbarrier.arrive $0xFFFF  }
0x16f: {  	p0 =	sne.s32 s0, $0x0;
	s0 =	rddreg [dreg:$0x2]  }
0x170: {  	s0 =	sadd.s32 @!p0 $0x100000, s0  }
0x171: {  	[sflag:s0] =	ssyncadd.tile.s32 @!p0 $0x1;
	_ =	shalt  }
.Lfunc_end2:
_tile_overlayer_lowered:
.L_overlay_start_2:
0x172: {  	(tag) =	ssettag $0x2  }
0x173: {  	s0 =	rddreg [dreg:$0x0];
	s2 =	stileid.u32  }
0x174: {  	s1 =	rddreg [dreg:$0x1];
	p0 =	sne.s32 s2, $0x0  }
0x175: {  	s3 =	rddreg [dreg:$0x2];
	[bflag:$0x3] =	sbarrier.arrive $0xFFFF;
	s2 =	simm.s32 @!p0 $0x1C05  }
0x176: {  	[timem:s3], [sflag:s2] =	dma.local @!p0 [hbm:s0], s1  }
0x177: {  	s0 =	simm.s32 @!p0 $0x5  }
0x178: {  	_ =	swait.ge @!p0 [sflag:s0], s1  }
0x179: {  	s1 =	ssub.s32 @!p0 $0x0, s1;
	[sflag:s0] =	ssyncset.done @!p0 $0x0  }
0x17a: {  	[sflag:s0] =	ssyncadd.s32 @!p0 s1  }
0x17b: {  	[bflag:$0x3] =	sbarrier.arrive $0xFFFF  }
0x17c: {  	_ =	shalt  }

</sc_bundles>
